<compile_context>
chip_gen: v7x
topology: tpu7x:2x2x1
jax: 0.10.2.dev20260603
libtpu: 0.0.44.dev20260713+nightly
codegen_flags: <defaults>
</compile_context>

<pallas_src>
import functools

import jax
import jax.numpy as jnp
from jax import lax
from jax.experimental import pallas as pl
from jax.experimental.pallas import tpu as pltpu
from jax.experimental.pallas import tpu_sc as plsc

B = 16384
ED = 128
MD = 8
MW = 4 * MD
MTOT = 1040
ELOFF = (0, 16, 72, 240)

_info = plsc.get_sparse_core_info()
NC, NS = _info.num_cores, _info.num_subcores
NW = NC * NS
BPW = B // NW
CH = 128
NCH = BPW // CH
NBUF = 3


def _sc_gather(uid2, mid2, g, a, o, z, uemb, memb, mtab):
    mesh = plsc.VectorSubcoreMesh(core_axis_name="c", subcore_axis_name="s")

    idx2 = lambda: pltpu.VMEM((NCH, CH), jnp.int32)
    idx1 = lambda: pltpu.VMEM((BPW,), jnp.int32)
    rowbuf = lambda: pltpu.VMEM((CH, ED), jnp.float32)

    @functools.partial(
        pl.kernel,
        mesh=mesh,
        compiler_params=pltpu.CompilerParams(needs_layout_passes=False),
        out_type=[
            jax.ShapeDtypeStruct((B, ED), jnp.float32),
            jax.ShapeDtypeStruct((B, ED), jnp.float32),
            jax.ShapeDtypeStruct((MW, B), jnp.float32),
        ],
        scratch_types=(
            [idx2(), idx2()]
            + [idx1() for _ in range(4)]
            + [rowbuf() for _ in range(2 * NBUF)]
            + [pltpu.VMEM((MTOT,), jnp.float32)]
            + [pltpu.VMEM((MW, BPW), jnp.float32)]
            + [pltpu.SemaphoreType.DMA for _ in range(2 * NBUF + 3)]
        ),
    )
    def body(uid2_h, mid2_h, g_h, a_h, o_h, z_h, uemb_h, memb_h, mtab_h,
             ulat_h, mlat_h, meta_h,
             uix, mix, gix, aix, oix, zix,
             ub0, ub1, ub2, mb0, mb1, mb2, mt_v, ms_v,
             s_init, s_meta, st_ms,
             sg_u0, sg_u1, sg_u2, sg_m0, sg_m1, sg_m2):
        ub = (ub0, ub1, ub2)
        mb = (mb0, mb1, mb2)
        sg_u = (sg_u0, sg_u1, sg_u2)
        sg_m = (sg_m0, sg_m1, sg_m2)

        wid = lax.axis_index("s") * NC + lax.axis_index("c")
        base = wid * BPW

        crows = pl.ds(wid * NCH, NCH)
        iu = pltpu.async_copy(uid2_h.at[crows], uix, s_init)
        im = pltpu.async_copy(mid2_h.at[crows], mix, s_init)
        iu.wait()
        im.wait()
        gu = [None] * NBUF
        gm = [None] * NBUF
        for c in range(NBUF):
            gu[c] = pltpu.async_copy(uemb_h.at[uix.at[c]], ub[c], sg_u[c])
            gm[c] = pltpu.async_copy(memb_h.at[mix.at[c]], mb[c], sg_m[c])

        brow = pl.ds(base, BPW)
        metas = [
            pltpu.async_copy(g_h.at[brow], gix, s_meta),
            pltpu.async_copy(a_h.at[brow], aix, s_meta),
            pltpu.async_copy(o_h.at[brow], oix, s_meta),
            pltpu.async_copy(z_h.at[brow], zix, s_meta),
            pltpu.async_copy(mtab_h, mt_v, s_meta),
        ]
        for cp in metas:
            cp.wait()

        def meta_step(sgrp, _):
            pos = pl.ds(sgrp * 16, 16)
            for t, (tix, eoff) in enumerate(zip((gix, aix, oix, zix),
                                                ELOFF)):
                fb = tix[pos] * MD + eoff
                for j in range(MD):
                    ms_v[t * MD + j, pos] = plsc.load_gather(mt_v, [fb + j])
            return ()
        lax.fori_loop(0, BPW // 16, meta_step, ())
        stms = pltpu.async_copy(ms_v, meta_h.at[:, brow], st_ms)

        stu = [None] * NCH
        stm = [None] * NCH
        for c in range(NCH):
            sl = c % NBUF
            rows = pl.ds(base + c * CH, CH)
            gu[sl].wait()
            gm[sl].wait()
            stu[c] = pltpu.async_copy(ub[sl], ulat_h.at[rows], sg_u[sl])
            stm[c] = pltpu.async_copy(mb[sl], mlat_h.at[rows], sg_m[sl])
            nxt = c + NBUF
            if nxt < NCH:
                stu[c].wait()
                stm[c].wait()
                gu[sl] = pltpu.async_copy(uemb_h.at[uix.at[nxt]], ub[sl],
                                          sg_u[sl])
                gm[sl] = pltpu.async_copy(memb_h.at[mix.at[nxt]], mb[sl],
                                          sg_m[sl])
        for c in range(NCH):
            if c + NBUF >= NCH:
                stu[c].wait()
                stm[c].wait()
        stms.wait()

    return body(uid2, mid2, g, a, o, z, uemb, memb, mtab)


BLK = 4096


def _tc_body(u_ref, m_ref, mt_ref, w_ref, b_ref, out_ref):
    t = jnp.dot(u_ref[...], w_ref[0:ED, :],
                preferred_element_type=jnp.float32)
    t += lax.dot_general(mt_ref[...], w_ref[ED:, :],
                         (((0,), (0,)), ((), ())),
                         preferred_element_type=jnp.float32)
    t += b_ref[...][None, :]
    p = t * m_ref[...]
    ones8 = jnp.ones((8, ED), jnp.float32)
    o8 = lax.dot_general(ones8, p, (((1,), (1,)), ((), ())),
                         preferred_element_type=jnp.float32)
    out_ref[...] = o8[0:1, :].reshape(1, 1, BLK)


def _tc_call(ulat, mlat, meta, W, b):
    grid = (B // BLK,)
    row = lambda i: (i, 0)
    return pl.pallas_call(
        _tc_body,
        grid=grid,
        in_specs=[
            pl.BlockSpec((BLK, ED), row),
            pl.BlockSpec((BLK, ED), row),
            pl.BlockSpec((MW, BLK), lambda i: (0, i)),
            pl.BlockSpec((ED + MW, ED), lambda i: (0, 0)),
            pl.BlockSpec((ED,), lambda i: (0,)),
        ],
        out_specs=pl.BlockSpec((1, 1, BLK), lambda i: (i, 0, 0)),
        out_shape=jax.ShapeDtypeStruct((B // BLK, 1, BLK), jnp.float32),
    )(ulat, mlat, meta, W, b).reshape(B)


def kernel(user_id, movie_id, gender, age, occupation, zip_code,
           user_emb, movie_emb, gender_emb, age_emb, occupation_emb, zip_emb,
           W, b):
    mtab = jnp.concatenate(
        [gender_emb.reshape(-1), age_emb.reshape(-1),
         occupation_emb.reshape(-1), zip_emb.reshape(-1)])
    r2 = lambda x: x.reshape(NW * NCH, CH)
    ulat, mlat, meta = _sc_gather(
        r2(user_id), r2(movie_id), gender, age, occupation, zip_code,
        user_emb, movie_emb, mtab)
    return _tc_call(ulat, mlat, meta, W, b)

# --- scband reference (transcript-rebuilt; emitter-appended) ---
"""Pipeline reference for scband-matrix-factorization-model-21620865368503 (READ-ONLY COPY).

The authoritative reference and input builder live on the scoring server;
editing this copy changes nothing except your own understanding.
"""

import jax, jax.numpy as jnp
import numpy as np

B = 16384
N_USERS = 1000000
N_MOVIES = 100000
EMBED_DIM = 128
META_DIM = 8


def setup_inputs(seed: int = 0) -> dict:
    key = jax.random.key(seed)
    ks = jax.random.split(key, 14)
    user_id = jax.random.randint(ks[0], (B,), 0, N_USERS)
    movie_id = jax.random.randint(ks[1], (B,), 0, N_MOVIES)
    gender = jax.random.randint(ks[2], (B,), 0, 2)
    age = jax.random.randint(ks[3], (B,), 0, 7)
    occupation = jax.random.randint(ks[4], (B,), 0, 21)
    zip_code = jax.random.randint(ks[5], (B,), 0, 100)
    user_emb = jax.random.normal(ks[6], (N_USERS, EMBED_DIM), jnp.float32) * 0.02
    movie_emb = jax.random.normal(ks[7], (N_MOVIES, EMBED_DIM), jnp.float32) * 0.02
    gender_emb = jax.random.normal(ks[8], (2, META_DIM), jnp.float32) * 0.02
    age_emb = jax.random.normal(ks[9], (7, META_DIM), jnp.float32) * 0.02
    occupation_emb = jax.random.normal(ks[10], (21, META_DIM), jnp.float32) * 0.02
    zip_emb = jax.random.normal(ks[11], (100, META_DIM), jnp.float32) * 0.02
    W = jax.random.normal(ks[12], (EMBED_DIM + 4 * META_DIM, EMBED_DIM), jnp.float32) * 0.05
    b = jnp.zeros((EMBED_DIM,), jnp.float32)
    return {
        "user_id": user_id, "movie_id": movie_id, "gender": gender,
        "age": age, "occupation": occupation, "zip_code": zip_code,
        "user_emb": user_emb, "movie_emb": movie_emb, "gender_emb": gender_emb,
        "age_emb": age_emb, "occupation_emb": occupation_emb, "zip_emb": zip_emb,
        "W": W, "b": b,
    }


def reference(user_id, movie_id, gender, age, occupation, zip_code,
              user_emb, movie_emb, gender_emb, age_emb, occupation_emb, zip_emb,
              W, b):
    user_latent = jnp.take(user_emb, user_id, axis=0)
    movie_latent = jnp.take(movie_emb, movie_id, axis=0)
    gender_latent = jnp.take(gender_emb, gender, axis=0)
    age_latent = jnp.take(age_emb, age, axis=0)
    occupation_latent = jnp.take(occupation_emb, occupation, axis=0)
    zip_code_latent = jnp.take(zip_emb, zip_code, axis=0)
    user_metadata = jnp.concatenate(
        [user_latent, gender_latent, age_latent, occupation_latent, zip_code_latent],
        axis=-1)
    user_metadata = user_metadata @ W + b
    # dropout is identity in eval mode
    prediction = jnp.sum(user_metadata * movie_latent, axis=-1)
    return prediction

if __name__ == "__main__":
    import jax
    _d = setup_inputs()
    print(jax.jit(kernel)(*tuple(_d.values())))

</pallas_src>

<mosaic_0001>
#map = affine_map<(d0, d1) -> (0, 0)>
#map1 = affine_map<(d0, d1) -> (0)>
module attributes {stable_mosaic.version = 14 : i64} {
  func.func @body(%arg0: i32, %arg1: i32, %arg2: memref<128x128xi32, #tpu.memory_space<hbm>>, %arg3: memref<128x128xi32, #tpu.memory_space<hbm>>, %arg4: memref<16384xi32, #tpu.memory_space<hbm>>, %arg5: memref<16384xi32, #tpu.memory_space<hbm>>, %arg6: memref<16384xi32, #tpu.memory_space<hbm>>, %arg7: memref<16384xi32, #tpu.memory_space<hbm>>, %arg8: memref<1000000x128xf32, #tpu.memory_space<hbm>>, %arg9: memref<100000x128xf32, #tpu.memory_space<hbm>>, %arg10: memref<1040xf32, #tpu.memory_space<hbm>>, %arg11: memref<16384x128xf32, #tpu.memory_space<hbm>>, %arg12: memref<16384x128xf32, #tpu.memory_space<hbm>>, %arg13: memref<32x16384xf32, #tpu.memory_space<hbm>>, %arg14: memref<4x128xi32, #tpu.memory_space<vmem>>, %arg15: memref<4x128xi32, #tpu.memory_space<vmem>>, %arg16: memref<512xi32, #tpu.memory_space<vmem>>, %arg17: memref<512xi32, #tpu.memory_space<vmem>>, %arg18: memref<512xi32, #tpu.memory_space<vmem>>, %arg19: memref<512xi32, #tpu.memory_space<vmem>>, %arg20: memref<128x128xf32, #tpu.memory_space<vmem>>, %arg21: memref<128x128xf32, #tpu.memory_space<vmem>>, %arg22: memref<128x128xf32, #tpu.memory_space<vmem>>, %arg23: memref<128x128xf32, #tpu.memory_space<vmem>>, %arg24: memref<128x128xf32, #tpu.memory_space<vmem>>, %arg25: memref<128x128xf32, #tpu.memory_space<vmem>>, %arg26: memref<1040xf32, #tpu.memory_space<vmem>>, %arg27: memref<32x512xf32, #tpu.memory_space<vmem>>, %arg28: memref<!tpu.dma_semaphore, #tpu.memory_space<semaphore_mem>>, %arg29: memref<!tpu.dma_semaphore, #tpu.memory_space<semaphore_mem>>, %arg30: memref<!tpu.dma_semaphore, #tpu.memory_space<semaphore_mem>>, %arg31: memref<!tpu.dma_semaphore, #tpu.memory_space<semaphore_mem>>, %arg32: memref<!tpu.dma_semaphore, #tpu.memory_space<semaphore_mem>>, %arg33: memref<!tpu.dma_semaphore, #tpu.memory_space<semaphore_mem>>, %arg34: memref<!tpu.dma_semaphore, #tpu.memory_space<semaphore_mem>>, %arg35: memref<!tpu.dma_semaphore, #tpu.memory_space<semaphore_mem>>, %arg36: memref<!tpu.dma_semaphore, #tpu.memory_space<semaphore_mem>>) attributes {dimension_semantics = [#tpu.dimension_semantics<core_parallel>, #tpu.dimension_semantics<subcore_parallel>], iteration_bounds = array<i64: 2, 16>, scalar_prefetch = 0 : i64, scratch_operands = 23 : i64, tpu.core_type = #tpu.core_type<sc_vector_subcore>, window_params = [{transform_indices = #map}, {transform_indices = #map}, {transform_indices = #map1}, {transform_indices = #map1}, {transform_indices = #map1}, {transform_indices = #map1}, {transform_indices = #map}, {transform_indices = #map}, {transform_indices = #map1}, {transform_indices = #map}, {transform_indices = #map}, {transform_indices = #map}]} {
    %mul3A = arith.constant 2 : i32
    %mul3A_0 = arith.muli %arg1, %mul3A : i32
    %add3A = arith.addi %mul3A_0, %arg0 : i32
    %mul3A_1 = arith.constant 512 : i32
    %mul3A_2 = arith.muli %add3A, %mul3A_1 : i32
    %mul3A_3 = arith.constant 4 : i32
    %mul3A_4 = arith.muli %add3A, %mul3A_3 : i32
    %dma_start3A = arith.constant 0 : i32
    %dma_start3A_5 = tpu.memref_slice %arg2[%mul3A_4, %dma_start3A] : memref<128x128xi32, #tpu.memory_space<hbm>> -> memref<4x128xi32, #tpu.memory_space<hbm>>
    %dma_start3A_6 = arith.constant 0 : i32
    %dma_start3A_7 = tpu.memref_slice %arg2[%mul3A_4, %dma_start3A_6] : memref<128x128xi32, #tpu.memory_space<hbm>> -> memref<4x128xi32, #tpu.memory_space<hbm>>
    tpu.enqueue_dma source(%dma_start3A_7 : memref<4x128xi32, #tpu.memory_space<hbm>>) target(%arg14 : memref<4x128xi32, #tpu.memory_space<vmem>>) target_semaphore(%arg28 : memref<!tpu.dma_semaphore, #tpu.memory_space<semaphore_mem>>)
    %dma_start3A_8 = arith.constant 0 : i32
    %dma_start3A_9 = tpu.memref_slice %arg3[%mul3A_4, %dma_start3A_8] : memref<128x128xi32, #tpu.memory_space<hbm>> -> memref<4x128xi32, #tpu.memory_space<hbm>>
    %dma_start3A_10 = arith.constant 0 : i32
    %dma_start3A_11 = tpu.memref_slice %arg3[%mul3A_4, %dma_start3A_10] : memref<128x128xi32, #tpu.memory_space<hbm>> -> memref<4x128xi32, #tpu.memory_space<hbm>>
    tpu.enqueue_dma source(%dma_start3A_11 : memref<4x128xi32, #tpu.memory_space<hbm>>) target(%arg15 : memref<4x128xi32, #tpu.memory_space<vmem>>) target_semaphore(%arg28 : memref<!tpu.dma_semaphore, #tpu.memory_space<semaphore_mem>>)
    %dma_wait3A = arith.constant 0 : i32
    %dma_wait3A_12 = tpu.memref_slice %arg2[%mul3A_4, %dma_wait3A] : memref<128x128xi32, #tpu.memory_space<hbm>> -> memref<4x128xi32, #tpu.memory_space<hbm>>
    %dma_wait3A_13 = arith.constant 0 : i32
    %dma_wait3A_14 = tpu.memref_slice %arg2[%mul3A_4, %dma_wait3A_13] : memref<128x128xi32, #tpu.memory_space<hbm>> -> memref<4x128xi32, #tpu.memory_space<hbm>>
    tpu.wait_dma2 semaphore(%arg28 : memref<!tpu.dma_semaphore, #tpu.memory_space<semaphore_mem>>) src(%dma_wait3A_14 : memref<4x128xi32, #tpu.memory_space<hbm>>) dst(%arg14 : memref<4x128xi32, #tpu.memory_space<vmem>>)
    %dma_wait3A_15 = arith.constant 0 : i32
    %dma_wait3A_16 = tpu.memref_slice %arg3[%mul3A_4, %dma_wait3A_15] : memref<128x128xi32, #tpu.memory_space<hbm>> -> memref<4x128xi32, #tpu.memory_space<hbm>>
    %dma_wait3A_17 = arith.constant 0 : i32
    %dma_wait3A_18 = tpu.memref_slice %arg3[%mul3A_4, %dma_wait3A_17] : memref<128x128xi32, #tpu.memory_space<hbm>> -> memref<4x128xi32, #tpu.memory_space<hbm>>
    tpu.wait_dma2 semaphore(%arg28 : memref<!tpu.dma_semaphore, #tpu.memory_space<semaphore_mem>>) src(%dma_wait3A_18 : memref<4x128xi32, #tpu.memory_space<hbm>>) dst(%arg15 : memref<4x128xi32, #tpu.memory_space<vmem>>)
    %dma_start3A_19 = arith.constant 0 : i32
    %dma_start3A_20 = arith.constant 0 : i32
    %dma_start3A_21 = tpu.memref_slice %arg14[%dma_start3A_19, %dma_start3A_20] : memref<4x128xi32, #tpu.memory_space<vmem>> -> memref<1x128xi32, #tpu.memory_space<vmem>>
    %dma_start3A_22 = tpu.memref_squeeze %dma_start3A_21 : memref<1x128xi32, #tpu.memory_space<vmem>> -> memref<128xi32, #tpu.memory_space<vmem>>
    %dma_start3A_23 = arith.constant 0 : i32
    %dma_start3A_24 = arith.constant 0 : i32
    %dma_start3A_25 = tpu.memref_slice %arg8[%dma_start3A_23, %dma_start3A_24] : memref<1000000x128xf32, #tpu.memory_space<hbm>> -> memref<1000000x128xf32, #tpu.memory_space<hbm>>
    tpu.enqueue_indirect_dma source(%dma_start3A_25 : memref<1000000x128xf32, #tpu.memory_space<hbm>>) target(%arg20 : memref<128x128xf32, #tpu.memory_space<vmem>>) offsets(%dma_start3A_22 : memref<128xi32, #tpu.memory_space<vmem>>) semaphore(%arg31 : memref<!tpu.dma_semaphore, #tpu.memory_space<semaphore_mem>>)
    %dma_start3A_26 = arith.constant 0 : i32
    %dma_start3A_27 = arith.constant 0 : i32
    %dma_start3A_28 = tpu.memref_slice %arg15[%dma_start3A_26, %dma_start3A_27] : memref<4x128xi32, #tpu.memory_space<vmem>> -> memref<1x128xi32, #tpu.memory_space<vmem>>
    %dma_start3A_29 = tpu.memref_squeeze %dma_start3A_28 : memref<1x128xi32, #tpu.memory_space<vmem>> -> memref<128xi32, #tpu.memory_space<vmem>>
    %dma_start3A_30 = arith.constant 0 : i32
    %dma_start3A_31 = arith.constant 0 : i32
    %dma_start3A_32 = tpu.memref_slice %arg9[%dma_start3A_30, %dma_start3A_31] : memref<100000x128xf32, #tpu.memory_space<hbm>> -> memref<100000x128xf32, #tpu.memory_space<hbm>>
    tpu.enqueue_indirect_dma source(%dma_start3A_32 : memref<100000x128xf32, #tpu.memory_space<hbm>>) target(%arg23 : memref<128x128xf32, #tpu.memory_space<vmem>>) offsets(%dma_start3A_29 : memref<128xi32, #tpu.memory_space<vmem>>) semaphore(%arg34 : memref<!tpu.dma_semaphore, #tpu.memory_space<semaphore_mem>>)
    %dma_start3A_33 = arith.constant 1 : i32
    %dma_start3A_34 = arith.constant 0 : i32
    %dma_start3A_35 = tpu.memref_slice %arg14[%dma_start3A_33, %dma_start3A_34] : memref<4x128xi32, #tpu.memory_space<vmem>> -> memref<1x128xi32, #tpu.memory_space<vmem>>
    %dma_start3A_36 = tpu.memref_squeeze %dma_start3A_35 : memref<1x128xi32, #tpu.memory_space<vmem>> -> memref<128xi32, #tpu.memory_space<vmem>>
    %dma_start3A_37 = arith.constant 0 : i32
    %dma_start3A_38 = arith.constant 0 : i32
    %dma_start3A_39 = tpu.memref_slice %arg8[%dma_start3A_37, %dma_start3A_38] : memref<1000000x128xf32, #tpu.memory_space<hbm>> -> memref<1000000x128xf32, #tpu.memory_space<hbm>>
    tpu.enqueue_indirect_dma source(%dma_start3A_39 : memref<1000000x128xf32, #tpu.memory_space<hbm>>) target(%arg21 : memref<128x128xf32, #tpu.memory_space<vmem>>) offsets(%dma_start3A_36 : memref<128xi32, #tpu.memory_space<vmem>>) semaphore(%arg32 : memref<!tpu.dma_semaphore, #tpu.memory_space<semaphore_mem>>)
    %dma_start3A_40 = arith.constant 1 : i32
    %dma_start3A_41 = arith.constant 0 : i32
    %dma_start3A_42 = tpu.memref_slice %arg15[%dma_start3A_40, %dma_start3A_41] : memref<4x128xi32, #tpu.memory_space<vmem>> -> memref<1x128xi32, #tpu.memory_space<vmem>>
    %dma_start3A_43 = tpu.memref_squeeze %dma_start3A_42 : memref<1x128xi32, #tpu.memory_space<vmem>> -> memref<128xi32, #tpu.memory_space<vmem>>
    %dma_start3A_44 = arith.constant 0 : i32
    %dma_start3A_45 = arith.constant 0 : i32
    %dma_start3A_46 = tpu.memref_slice %arg9[%dma_start3A_44, %dma_start3A_45] : memref<100000x128xf32, #tpu.memory_space<hbm>> -> memref<100000x128xf32, #tpu.memory_space<hbm>>
    tpu.enqueue_indirect_dma source(%dma_start3A_46 : memref<100000x128xf32, #tpu.memory_space<hbm>>) target(%arg24 : memref<128x128xf32, #tpu.memory_space<vmem>>) offsets(%dma_start3A_43 : memref<128xi32, #tpu.memory_space<vmem>>) semaphore(%arg35 : memref<!tpu.dma_semaphore, #tpu.memory_space<semaphore_mem>>)
    %dma_start3A_47 = arith.constant 2 : i32
    %dma_start3A_48 = arith.constant 0 : i32
    %dma_start3A_49 = tpu.memref_slice %arg14[%dma_start3A_47, %dma_start3A_48] : memref<4x128xi32, #tpu.memory_space<vmem>> -> memref<1x128xi32, #tpu.memory_space<vmem>>
    %dma_start3A_50 = tpu.memref_squeeze %dma_start3A_49 : memref<1x128xi32, #tpu.memory_space<vmem>> -> memref<128xi32, #tpu.memory_space<vmem>>
    %dma_start3A_51 = arith.constant 0 : i32
    %dma_start3A_52 = arith.constant 0 : i32
    %dma_start3A_53 = tpu.memref_slice %arg8[%dma_start3A_51, %dma_start3A_52] : memref<1000000x128xf32, #tpu.memory_space<hbm>> -> memref<1000000x128xf32, #tpu.memory_space<hbm>>
    tpu.enqueue_indirect_dma source(%dma_start3A_53 : memref<1000000x128xf32, #tpu.memory_space<hbm>>) target(%arg22 : memref<128x128xf32, #tpu.memory_space<vmem>>) offsets(%dma_start3A_50 : memref<128xi32, #tpu.memory_space<vmem>>) semaphore(%arg33 : memref<!tpu.dma_semaphore, #tpu.memory_space<semaphore_mem>>)
    %dma_start3A_54 = arith.constant 2 : i32
    %dma_start3A_55 = arith.constant 0 : i32
    %dma_start3A_56 = tpu.memref_slice %arg15[%dma_start3A_54, %dma_start3A_55] : memref<4x128xi32, #tpu.memory_space<vmem>> -> memref<1x128xi32, #tpu.memory_space<vmem>>
    %dma_start3A_57 = tpu.memref_squeeze %dma_start3A_56 : memref<1x128xi32, #tpu.memory_space<vmem>> -> memref<128xi32, #tpu.memory_space<vmem>>
    %dma_start3A_58 = arith.constant 0 : i32
    %dma_start3A_59 = arith.constant 0 : i32
    %dma_start3A_60 = tpu.memref_slice %arg9[%dma_start3A_58, %dma_start3A_59] : memref<100000x128xf32, #tpu.memory_space<hbm>> -> memref<100000x128xf32, #tpu.memory_space<hbm>>
    tpu.enqueue_indirect_dma source(%dma_start3A_60 : memref<100000x128xf32, #tpu.memory_space<hbm>>) target(%arg25 : memref<128x128xf32, #tpu.memory_space<vmem>>) offsets(%dma_start3A_57 : memref<128xi32, #tpu.memory_space<vmem>>) semaphore(%arg36 : memref<!tpu.dma_semaphore, #tpu.memory_space<semaphore_mem>>)
    %dma_start3A_61 = tpu.memref_slice %arg4[%mul3A_2] : memref<16384xi32, #tpu.memory_space<hbm>> -> memref<512xi32, #tpu.memory_space<hbm>>
    %dma_start3A_62 = tpu.memref_slice %arg4[%mul3A_2] : memref<16384xi32, #tpu.memory_space<hbm>> -> memref<512xi32, #tpu.memory_space<hbm>>
    tpu.enqueue_dma source(%dma_start3A_62 : memref<512xi32, #tpu.memory_space<hbm>>) target(%arg16 : memref<512xi32, #tpu.memory_space<vmem>>) target_semaphore(%arg29 : memref<!tpu.dma_semaphore, #tpu.memory_space<semaphore_mem>>)
    %dma_start3A_63 = tpu.memref_slice %arg5[%mul3A_2] : memref<16384xi32, #tpu.memory_space<hbm>> -> memref<512xi32, #tpu.memory_space<hbm>>
    %dma_start3A_64 = tpu.memref_slice %arg5[%mul3A_2] : memref<16384xi32, #tpu.memory_space<hbm>> -> memref<512xi32, #tpu.memory_space<hbm>>
    tpu.enqueue_dma source(%dma_start3A_64 : memref<512xi32, #tpu.memory_space<hbm>>) target(%arg17 : memref<512xi32, #tpu.memory_space<vmem>>) target_semaphore(%arg29 : memref<!tpu.dma_semaphore, #tpu.memory_space<semaphore_mem>>)
    %dma_start3A_65 = tpu.memref_slice %arg6[%mul3A_2] : memref<16384xi32, #tpu.memory_space<hbm>> -> memref<512xi32, #tpu.memory_space<hbm>>
    %dma_start3A_66 = tpu.memref_slice %arg6[%mul3A_2] : memref<16384xi32, #tpu.memory_space<hbm>> -> memref<512xi32, #tpu.memory_space<hbm>>
    tpu.enqueue_dma source(%dma_start3A_66 : memref<512xi32, #tpu.memory_space<hbm>>) target(%arg18 : memref<512xi32, #tpu.memory_space<vmem>>) target_semaphore(%arg29 : memref<!tpu.dma_semaphore, #tpu.memory_space<semaphore_mem>>)
    %dma_start3A_67 = tpu.memref_slice %arg7[%mul3A_2] : memref<16384xi32, #tpu.memory_space<hbm>> -> memref<512xi32, #tpu.memory_space<hbm>>
    %dma_start3A_68 = tpu.memref_slice %arg7[%mul3A_2] : memref<16384xi32, #tpu.memory_space<hbm>> -> memref<512xi32, #tpu.memory_space<hbm>>
    tpu.enqueue_dma source(%dma_start3A_68 : memref<512xi32, #tpu.memory_space<hbm>>) target(%arg19 : memref<512xi32, #tpu.memory_space<vmem>>) target_semaphore(%arg29 : memref<!tpu.dma_semaphore, #tpu.memory_space<semaphore_mem>>)
    tpu.enqueue_dma source(%arg10 : memref<1040xf32, #tpu.memory_space<hbm>>) target(%arg26 : memref<1040xf32, #tpu.memory_space<vmem>>) target_semaphore(%arg29 : memref<!tpu.dma_semaphore, #tpu.memory_space<semaphore_mem>>)
    %dma_wait3A_69 = tpu.memref_slice %arg4[%mul3A_2] : memref<16384xi32, #tpu.memory_space<hbm>> -> memref<512xi32, #tpu.memory_space<hbm>>
    %dma_wait3A_70 = tpu.memref_slice %arg4[%mul3A_2] : memref<16384xi32, #tpu.memory_space<hbm>> -> memref<512xi32, #tpu.memory_space<hbm>>
    tpu.wait_dma2 semaphore(%arg29 : memref<!tpu.dma_semaphore, #tpu.memory_space<semaphore_mem>>) src(%dma_wait3A_70 : memref<512xi32, #tpu.memory_space<hbm>>) dst(%arg16 : memref<512xi32, #tpu.memory_space<vmem>>)
    %dma_wait3A_71 = tpu.memref_slice %arg5[%mul3A_2] : memref<16384xi32, #tpu.memory_space<hbm>> -> memref<512xi32, #tpu.memory_space<hbm>>
    %dma_wait3A_72 = tpu.memref_slice %arg5[%mul3A_2] : memref<16384xi32, #tpu.memory_space<hbm>> -> memref<512xi32, #tpu.memory_space<hbm>>
    tpu.wait_dma2 semaphore(%arg29 : memref<!tpu.dma_semaphore, #tpu.memory_space<semaphore_mem>>) src(%dma_wait3A_72 : memref<512xi32, #tpu.memory_space<hbm>>) dst(%arg17 : memref<512xi32, #tpu.memory_space<vmem>>)
    %dma_wait3A_73 = tpu.memref_slice %arg6[%mul3A_2] : memref<16384xi32, #tpu.memory_space<hbm>> -> memref<512xi32, #tpu.memory_space<hbm>>
    %dma_wait3A_74 = tpu.memref_slice %arg6[%mul3A_2] : memref<16384xi32, #tpu.memory_space<hbm>> -> memref<512xi32, #tpu.memory_space<hbm>>
    tpu.wait_dma2 semaphore(%arg29 : memref<!tpu.dma_semaphore, #tpu.memory_space<semaphore_mem>>) src(%dma_wait3A_74 : memref<512xi32, #tpu.memory_space<hbm>>) dst(%arg18 : memref<512xi32, #tpu.memory_space<vmem>>)
    %dma_wait3A_75 = tpu.memref_slice %arg7[%mul3A_2] : memref<16384xi32, #tpu.memory_space<hbm>> -> memref<512xi32, #tpu.memory_space<hbm>>
    %dma_wait3A_76 = tpu.memref_slice %arg7[%mul3A_2] : memref<16384xi32, #tpu.memory_space<hbm>> -> memref<512xi32, #tpu.memory_space<hbm>>
    tpu.wait_dma2 semaphore(%arg29 : memref<!tpu.dma_semaphore, #tpu.memory_space<semaphore_mem>>) src(%dma_wait3A_76 : memref<512xi32, #tpu.memory_space<hbm>>) dst(%arg19 : memref<512xi32, #tpu.memory_space<vmem>>)
    tpu.wait_dma2 semaphore(%arg29 : memref<!tpu.dma_semaphore, #tpu.memory_space<semaphore_mem>>) src(%arg10 : memref<1040xf32, #tpu.memory_space<hbm>>) dst(%arg26 : memref<1040xf32, #tpu.memory_space<vmem>>)
    %scan3A = arith.constant 0 : i32
    %scan3A_77 = arith.constant 32 : i32
    %scan3A_78 = arith.addi %scan3A, %scan3A_77 : i32
    %scan3A_79 = arith.constant 1 : i32
    scf.for %scan3A_231 = %scan3A to %scan3A_78 step %scan3A_79  : i32 {
      %mul3A_232 = arith.constant 16 : i32
      %mul3A_233 = arith.muli %scan3A_231, %mul3A_232 : i32
      %get3A = arith.index_cast %mul3A_233 : i32 to index
      %get3A_234 = tpu.vector_load %arg16[%get3A] {strides = array<i32>} : memref<512xi32, #tpu.memory_space<vmem>>, vector<16xi32>,
      %mul3A_235 = arith.constant 8 : i32
      %mul3A_236 = vector.broadcast %mul3A_235 : i32 to vector<16xi32>
      %mul3A_237 = arith.muli %get3A_234, %mul3A_236 : vector<16xi32>
      %add3A_238 = arith.constant 0 : i32
      %add3A_239 = vector.broadcast %add3A_238 : i32 to vector<16xi32>
      %add3A_240 = arith.addi %mul3A_237, %add3A_239 : vector<16xi32>
      %add3A_241 = arith.constant 0 : i32
      %add3A_242 = vector.broadcast %add3A_241 : i32 to vector<16xi32>
      %add3A_243 = arith.addi %add3A_240, %add3A_242 : vector<16xi32>
      %gather3A = tpu.vector_load_idx %arg26[%add3A_243] : memref<1040xf32, #tpu.memory_space<vmem>>[vector<16xi32>], vector<16xf32>,
      %swap3A = arith.constant 0 : i32
      %swap3A_244 = arith.index_cast %swap3A : i32 to index
      %swap3A_245 = arith.index_cast %mul3A_233 : i32 to index
      %swap3A_246 = tpu.vector_load %arg27[%swap3A_244, %swap3A_245] {strides = array<i32>} : memref<32x512xf32, #tpu.memory_space<vmem>>, vector<16xf32>,
      tpu.vector_store %arg27[%swap3A_244, %swap3A_245], %gather3A {strides = array<i32>} : memref<32x512xf32, #tpu.memory_space<vmem>>, vector<16xf32>,
      %add3A_247 = arith.constant 1 : i32
      %add3A_248 = vector.broadcast %add3A_247 : i32 to vector<16xi32>
      %add3A_249 = arith.addi %add3A_240, %add3A_248 : vector<16xi32>
      %gather3A_250 = tpu.vector_load_idx %arg26[%add3A_249] : memref<1040xf32, #tpu.memory_space<vmem>>[vector<16xi32>], vector<16xf32>,
      %swap3A_251 = arith.constant 1 : i32
      %swap3A_252 = arith.index_cast %swap3A_251 : i32 to index
      %swap3A_253 = arith.index_cast %mul3A_233 : i32 to index
      %swap3A_254 = tpu.vector_load %arg27[%swap3A_252, %swap3A_253] {strides = array<i32>} : memref<32x512xf32, #tpu.memory_space<vmem>>, vector<16xf32>,
      tpu.vector_store %arg27[%swap3A_252, %swap3A_253], %gather3A_250 {strides = array<i32>} : memref<32x512xf32, #tpu.memory_space<vmem>>, vector<16xf32>,
      %add3A_255 = arith.constant 2 : i32
      %add3A_256 = vector.broadcast %add3A_255 : i32 to vector<16xi32>
      %add3A_257 = arith.addi %add3A_240, %add3A_256 : vector<16xi32>
      %gather3A_258 = tpu.vector_load_idx %arg26[%add3A_257] : memref<1040xf32, #tpu.memory_space<vmem>>[vector<16xi32>], vector<16xf32>,
      %swap3A_259 = arith.constant 2 : i32
      %swap3A_260 = arith.index_cast %swap3A_259 : i32 to index
      %swap3A_261 = arith.index_cast %mul3A_233 : i32 to index
      %swap3A_262 = tpu.vector_load %arg27[%swap3A_260, %swap3A_261] {strides = array<i32>} : memref<32x512xf32, #tpu.memory_space<vmem>>, vector<16xf32>,
      tpu.vector_store %arg27[%swap3A_260, %swap3A_261], %gather3A_258 {strides = array<i32>} : memref<32x512xf32, #tpu.memory_space<vmem>>, vector<16xf32>,
      %add3A_263 = arith.constant 3 : i32
      %add3A_264 = vector.broadcast %add3A_263 : i32 to vector<16xi32>
      %add3A_265 = arith.addi %add3A_240, %add3A_264 : vector<16xi32>
      %gather3A_266 = tpu.vector_load_idx %arg26[%add3A_265] : memref<1040xf32, #tpu.memory_space<vmem>>[vector<16xi32>], vector<16xf32>,
      %swap3A_267 = arith.constant 3 : i32
      %swap3A_268 = arith.index_cast %swap3A_267 : i32 to index
      %swap3A_269 = arith.index_cast %mul3A_233 : i32 to index
      %swap3A_270 = tpu.vector_load %arg27[%swap3A_268, %swap3A_269] {strides = array<i32>} : memref<32x512xf32, #tpu.memory_space<vmem>>, vector<16xf32>,
      tpu.vector_store %arg27[%swap3A_268, %swap3A_269], %gather3A_266 {strides = array<i32>} : memref<32x512xf32, #tpu.memory_space<vmem>>, vector<16xf32>,
      %add3A_271 = arith.constant 4 : i32
      %add3A_272 = vector.broadcast %add3A_271 : i32 to vector<16xi32>
      %add3A_273 = arith.addi %add3A_240, %add3A_272 : vector<16xi32>
      %gather3A_274 = tpu.vector_load_idx %arg26[%add3A_273] : memref<1040xf32, #tpu.memory_space<vmem>>[vector<16xi32>], vector<16xf32>,
      %swap3A_275 = arith.constant 4 : i32
      %swap3A_276 = arith.index_cast %swap3A_275 : i32 to index
      %swap3A_277 = arith.index_cast %mul3A_233 : i32 to index
      %swap3A_278 = tpu.vector_load %arg27[%swap3A_276, %swap3A_277] {strides = array<i32>} : memref<32x512xf32, #tpu.memory_space<vmem>>, vector<16xf32>,
      tpu.vector_store %arg27[%swap3A_276, %swap3A_277], %gather3A_274 {strides = array<i32>} : memref<32x512xf32, #tpu.memory_space<vmem>>, vector<16xf32>,
      %add3A_279 = arith.constant 5 : i32
      %add3A_280 = vector.broadcast %add3A_279 : i32 to vector<16xi32>
      %add3A_281 = arith.addi %add3A_240, %add3A_280 : vector<16xi32>
      %gather3A_282 = tpu.vector_load_idx %arg26[%add3A_281] : memref<1040xf32, #tpu.memory_space<vmem>>[vector<16xi32>], vector<16xf32>,
      %swap3A_283 = arith.constant 5 : i32
      %swap3A_284 = arith.index_cast %swap3A_283 : i32 to index
      %swap3A_285 = arith.index_cast %mul3A_233 : i32 to index
      %swap3A_286 = tpu.vector_load %arg27[%swap3A_284, %swap3A_285] {strides = array<i32>} : memref<32x512xf32, #tpu.memory_space<vmem>>, vector<16xf32>,
      tpu.vector_store %arg27[%swap3A_284, %swap3A_285], %gather3A_282 {strides = array<i32>} : memref<32x512xf32, #tpu.memory_space<vmem>>, vector<16xf32>,
      %add3A_287 = arith.constant 6 : i32
      %add3A_288 = vector.broadcast %add3A_287 : i32 to vector<16xi32>
      %add3A_289 = arith.addi %add3A_240, %add3A_288 : vector<16xi32>
      %gather3A_290 = tpu.vector_load_idx %arg26[%add3A_289] : memref<1040xf32, #tpu.memory_space<vmem>>[vector<16xi32>], vector<16xf32>,
      %swap3A_291 = arith.constant 6 : i32
      %swap3A_292 = arith.index_cast %swap3A_291 : i32 to index
      %swap3A_293 = arith.index_cast %mul3A_233 : i32 to index
      %swap3A_294 = tpu.vector_load %arg27[%swap3A_292, %swap3A_293] {strides = array<i32>} : memref<32x512xf32, #tpu.memory_space<vmem>>, vector<16xf32>,
      tpu.vector_store %arg27[%swap3A_292, %swap3A_293], %gather3A_290 {strides = array<i32>} : memref<32x512xf32, #tpu.memory_space<vmem>>, vector<16xf32>,
      %add3A_295 = arith.constant 7 : i32
      %add3A_296 = vector.broadcast %add3A_295 : i32 to vector<16xi32>
      %add3A_297 = arith.addi %add3A_240, %add3A_296 : vector<16xi32>
      %gather3A_298 = tpu.vector_load_idx %arg26[%add3A_297] : memref<1040xf32, #tpu.memory_space<vmem>>[vector<16xi32>], vector<16xf32>,
      %swap3A_299 = arith.constant 7 : i32
      %swap3A_300 = arith.index_cast %swap3A_299 : i32 to index
      %swap3A_301 = arith.index_cast %mul3A_233 : i32 to index
      %swap3A_302 = tpu.vector_load %arg27[%swap3A_300, %swap3A_301] {strides = array<i32>} : memref<32x512xf32, #tpu.memory_space<vmem>>, vector<16xf32>,
      tpu.vector_store %arg27[%swap3A_300, %swap3A_301], %gather3A_298 {strides = array<i32>} : memref<32x512xf32, #tpu.memory_space<vmem>>, vector<16xf32>,
      %get3A_303 = arith.index_cast %mul3A_233 : i32 to index
      %get3A_304 = tpu.vector_load %arg17[%get3A_303] {strides = array<i32>} : memref<512xi32, #tpu.memory_space<vmem>>, vector<16xi32>,
      %mul3A_305 = arith.constant 8 : i32
      %mul3A_306 = vector.broadcast %mul3A_305 : i32 to vector<16xi32>
      %mul3A_307 = arith.muli %get3A_304, %mul3A_306 : vector<16xi32>
      %add3A_308 = arith.constant 16 : i32
      %add3A_309 = vector.broadcast %add3A_308 : i32 to vector<16xi32>
      %add3A_310 = arith.addi %mul3A_307, %add3A_309 : vector<16xi32>
      %add3A_311 = arith.constant 0 : i32
      %add3A_312 = vector.broadcast %add3A_311 : i32 to vector<16xi32>
      %add3A_313 = arith.addi %add3A_310, %add3A_312 : vector<16xi32>
      %gather3A_314 = tpu.vector_load_idx %arg26[%add3A_313] : memref<1040xf32, #tpu.memory_space<vmem>>[vector<16xi32>], vector<16xf32>,
      %swap3A_315 = arith.constant 8 : i32
      %swap3A_316 = arith.index_cast %swap3A_315 : i32 to index
      %swap3A_317 = arith.index_cast %mul3A_233 : i32 to index
      %swap3A_318 = tpu.vector_load %arg27[%swap3A_316, %swap3A_317] {strides = array<i32>} : memref<32x512xf32, #tpu.memory_space<vmem>>, vector<16xf32>,
      tpu.vector_store %arg27[%swap3A_316, %swap3A_317], %gather3A_314 {strides = array<i32>} : memref<32x512xf32, #tpu.memory_space<vmem>>, vector<16xf32>,
      %add3A_319 = arith.constant 1 : i32
      %add3A_320 = vector.broadcast %add3A_319 : i32 to vector<16xi32>
      %add3A_321 = arith.addi %add3A_310, %add3A_320 : vector<16xi32>
      %gather3A_322 = tpu.vector_load_idx %arg26[%add3A_321] : memref<1040xf32, #tpu.memory_space<vmem>>[vector<16xi32>], vector<16xf32>,
      %swap3A_323 = arith.constant 9 : i32
      %swap3A_324 = arith.index_cast %swap3A_323 : i32 to index
      %swap3A_325 = arith.index_cast %mul3A_233 : i32 to index
      %swap3A_326 = tpu.vector_load %arg27[%swap3A_324, %swap3A_325] {strides = array<i32>} : memref<32x512xf32, #tpu.memory_space<vmem>>, vector<16xf32>,
      tpu.vector_store %arg27[%swap3A_324, %swap3A_325], %gather3A_322 {strides = array<i32>} : memref<32x512xf32, #tpu.memory_space<vmem>>, vector<16xf32>,
      %add3A_327 = arith.constant 2 : i32
      %add3A_328 = vector.broadcast %add3A_327 : i32 to vector<16xi32>
      %add3A_329 = arith.addi %add3A_310, %add3A_328 : vector<16xi32>
      %gather3A_330 = tpu.vector_load_idx %arg26[%add3A_329] : memref<1040xf32, #tpu.memory_space<vmem>>[vector<16xi32>], vector<16xf32>,
      %swap3A_331 = arith.constant 10 : i32
      %swap3A_332 = arith.index_cast %swap3A_331 : i32 to index
      %swap3A_333 = arith.index_cast %mul3A_233 : i32 to index
      %swap3A_334 = tpu.vector_load %arg27[%swap3A_332, %swap3A_333] {strides = array<i32>} : memref<32x512xf32, #tpu.memory_space<vmem>>, vector<16xf32>,
      tpu.vector_store %arg27[%swap3A_332, %swap3A_333], %gather3A_330 {strides = array<i32>} : memref<32x512xf32, #tpu.memory_space<vmem>>, vector<16xf32>,
      %add3A_335 = arith.constant 3 : i32
      %add3A_336 = vector.broadcast %add3A_335 : i32 to vector<16xi32>
      %add3A_337 = arith.addi %add3A_310, %add3A_336 : vector<16xi32>
      %gather3A_338 = tpu.vector_load_idx %arg26[%add3A_337] : memref<1040xf32, #tpu.memory_space<vmem>>[vector<16xi32>], vector<16xf32>,
      %swap3A_339 = arith.constant 11 : i32
      %swap3A_340 = arith.index_cast %swap3A_339 : i32 to index
      %swap3A_341 = arith.index_cast %mul3A_233 : i32 to index
      %swap3A_342 = tpu.vector_load %arg27[%swap3A_340, %swap3A_341] {strides = array<i32>} : memref<32x512xf32, #tpu.memory_space<vmem>>, vector<16xf32>,
      tpu.vector_store %arg27[%swap3A_340, %swap3A_341], %gather3A_338 {strides = array<i32>} : memref<32x512xf32, #tpu.memory_space<vmem>>, vector<16xf32>,
      %add3A_343 = arith.constant 4 : i32
      %add3A_344 = vector.broadcast %add3A_343 : i32 to vector<16xi32>
      %add3A_345 = arith.addi %add3A_310, %add3A_344 : vector<16xi32>
      %gather3A_346 = tpu.vector_load_idx %arg26[%add3A_345] : memref<1040xf32, #tpu.memory_space<vmem>>[vector<16xi32>], vector<16xf32>,
      %swap3A_347 = arith.constant 12 : i32
      %swap3A_348 = arith.index_cast %swap3A_347 : i32 to index
      %swap3A_349 = arith.index_cast %mul3A_233 : i32 to index
      %swap3A_350 = tpu.vector_load %arg27[%swap3A_348, %swap3A_349] {strides = array<i32>} : memref<32x512xf32, #tpu.memory_space<vmem>>, vector<16xf32>,
      tpu.vector_store %arg27[%swap3A_348, %swap3A_349], %gather3A_346 {strides = array<i32>} : memref<32x512xf32, #tpu.memory_space<vmem>>, vector<16xf32>,
      %add3A_351 = arith.constant 5 : i32
      %add3A_352 = vector.broadcast %add3A_351 : i32 to vector<16xi32>
      %add3A_353 = arith.addi %add3A_310, %add3A_352 : vector<16xi32>
      %gather3A_354 = tpu.vector_load_idx %arg26[%add3A_353] : memref<1040xf32, #tpu.memory_space<vmem>>[vector<16xi32>], vector<16xf32>,
      %swap3A_355 = arith.constant 13 : i32
      %swap3A_356 = arith.index_cast %swap3A_355 : i32 to index
      %swap3A_357 = arith.index_cast %mul3A_233 : i32 to index
      %swap3A_358 = tpu.vector_load %arg27[%swap3A_356, %swap3A_357] {strides = array<i32>} : memref<32x512xf32, #tpu.memory_space<vmem>>, vector<16xf32>,
      tpu.vector_store %arg27[%swap3A_356, %swap3A_357], %gather3A_354 {strides = array<i32>} : memref<32x512xf32, #tpu.memory_space<vmem>>, vector<16xf32>,
      %add3A_359 = arith.constant 6 : i32
      %add3A_360 = vector.broadcast %add3A_359 : i32 to vector<16xi32>
      %add3A_361 = arith.addi %add3A_310, %add3A_360 : vector<16xi32>
      %gather3A_362 = tpu.vector_load_idx %arg26[%add3A_361] : memref<1040xf32, #tpu.memory_space<vmem>>[vector<16xi32>], vector<16xf32>,
      %swap3A_363 = arith.constant 14 : i32
      %swap3A_364 = arith.index_cast %swap3A_363 : i32 to index
      %swap3A_365 = arith.index_cast %mul3A_233 : i32 to index
      %swap3A_366 = tpu.vector_load %arg27[%swap3A_364, %swap3A_365] {strides = array<i32>} : memref<32x512xf32, #tpu.memory_space<vmem>>, vector<16xf32>,
      tpu.vector_store %arg27[%swap3A_364, %swap3A_365], %gather3A_362 {strides = array<i32>} : memref<32x512xf32, #tpu.memory_space<vmem>>, vector<16xf32>,
      %add3A_367 = arith.constant 7 : i32
      %add3A_368 = vector.broadcast %add3A_367 : i32 to vector<16xi32>
      %add3A_369 = arith.addi %add3A_310, %add3A_368 : vector<16xi32>
      %gather3A_370 = tpu.vector_load_idx %arg26[%add3A_369] : memref<1040xf32, #tpu.memory_space<vmem>>[vector<16xi32>], vector<16xf32>,
      %swap3A_371 = arith.constant 15 : i32
      %swap3A_372 = arith.index_cast %swap3A_371 : i32 to index
      %swap3A_373 = arith.index_cast %mul3A_233 : i32 to index
      %swap3A_374 = tpu.vector_load %arg27[%swap3A_372, %swap3A_373] {strides = array<i32>} : memref<32x512xf32, #tpu.memory_space<vmem>>, vector<16xf32>,
      tpu.vector_store %arg27[%swap3A_372, %swap3A_373], %gather3A_370 {strides = array<i32>} : memref<32x512xf32, #tpu.memory_space<vmem>>, vector<16xf32>,
      %get3A_375 = arith.index_cast %mul3A_233 : i32 to index
      %get3A_376 = tpu.vector_load %arg18[%get3A_375] {strides = array<i32>} : memref<512xi32, #tpu.memory_space<vmem>>, vector<16xi32>,
      %mul3A_377 = arith.constant 8 : i32
      %mul3A_378 = vector.broadcast %mul3A_377 : i32 to vector<16xi32>
      %mul3A_379 = arith.muli %get3A_376, %mul3A_378 : vector<16xi32>
      %add3A_380 = arith.constant 72 : i32
      %add3A_381 = vector.broadcast %add3A_380 : i32 to vector<16xi32>
      %add3A_382 = arith.addi %mul3A_379, %add3A_381 : vector<16xi32>
      %add3A_383 = arith.constant 0 : i32
      %add3A_384 = vector.broadcast %add3A_383 : i32 to vector<16xi32>
      %add3A_385 = arith.addi %add3A_382, %add3A_384 : vector<16xi32>
      %gather3A_386 = tpu.vector_load_idx %arg26[%add3A_385] : memref<1040xf32, #tpu.memory_space<vmem>>[vector<16xi32>], vector<16xf32>,
      %swap3A_387 = arith.constant 16 : i32
      %swap3A_388 = arith.index_cast %swap3A_387 : i32 to index
      %swap3A_389 = arith.index_cast %mul3A_233 : i32 to index
      %swap3A_390 = tpu.vector_load %arg27[%swap3A_388, %swap3A_389] {strides = array<i32>} : memref<32x512xf32, #tpu.memory_space<vmem>>, vector<16xf32>,
      tpu.vector_store %arg27[%swap3A_388, %swap3A_389], %gather3A_386 {strides = array<i32>} : memref<32x512xf32, #tpu.memory_space<vmem>>, vector<16xf32>,
      %add3A_391 = arith.constant 1 : i32
      %add3A_392 = vector.broadcast %add3A_391 : i32 to vector<16xi32>
      %add3A_393 = arith.addi %add3A_382, %add3A_392 : vector<16xi32>
      %gather3A_394 = tpu.vector_load_idx %arg26[%add3A_393] : memref<1040xf32, #tpu.memory_space<vmem>>[vector<16xi32>], vector<16xf32>,
      %swap3A_395 = arith.constant 17 : i32
      %swap3A_396 = arith.index_cast %swap3A_395 : i32 to index
      %swap3A_397 = arith.index_cast %mul3A_233 : i32 to index
      %swap3A_398 = tpu.vector_load %arg27[%swap3A_396, %swap3A_397] {strides = array<i32>} : memref<32x512xf32, #tpu.memory_space<vmem>>, vector<16xf32>,
      tpu.vector_store %arg27[%swap3A_396, %swap3A_397], %gather3A_394 {strides = array<i32>} : memref<32x512xf32, #tpu.memory_space<vmem>>, vector<16xf32>,
      %add3A_399 = arith.constant 2 : i32
      %add3A_400 = vector.broadcast %add3A_399 : i32 to vector<16xi32>
      %add3A_401 = arith.addi %add3A_382, %add3A_400 : vector<16xi32>
      %gather3A_402 = tpu.vector_load_idx %arg26[%add3A_401] : memref<1040xf32, #tpu.memory_space<vmem>>[vector<16xi32>], vector<16xf32>,
      %swap3A_403 = arith.constant 18 : i32
      %swap3A_404 = arith.index_cast %swap3A_403 : i32 to index
      %swap3A_405 = arith.index_cast %mul3A_233 : i32 to index
      %swap3A_406 = tpu.vector_load %arg27[%swap3A_404, %swap3A_405] {strides = array<i32>} : memref<32x512xf32, #tpu.memory_space<vmem>>, vector<16xf32>,
      tpu.vector_store %arg27[%swap3A_404, %swap3A_405], %gather3A_402 {strides = array<i32>} : memref<32x512xf32, #tpu.memory_space<vmem>>, vector<16xf32>,
      %add3A_407 = arith.constant 3 : i32
      %add3A_408 = vector.broadcast %add3A_407 : i32 to vector<16xi32>
      %add3A_409 = arith.addi %add3A_382, %add3A_408 : vector<16xi32>
      %gather3A_410 = tpu.vector_load_idx %arg26[%add3A_409] : memref<1040xf32, #tpu.memory_space<vmem>>[vector<16xi32>], vector<16xf32>,
      %swap3A_411 = arith.constant 19 : i32
      %swap3A_412 = arith.index_cast %swap3A_411 : i32 to index
      %swap3A_413 = arith.index_cast %mul3A_233 : i32 to index
      %swap3A_414 = tpu.vector_load %arg27[%swap3A_412, %swap3A_413] {strides = array<i32>} : memref<32x512xf32, #tpu.memory_space<vmem>>, vector<16xf32>,
      tpu.vector_store %arg27[%swap3A_412, %swap3A_413], %gather3A_410 {strides = array<i32>} : memref<32x512xf32, #tpu.memory_space<vmem>>, vector<16xf32>,
      %add3A_415 = arith.constant 4 : i32
      %add3A_416 = vector.broadcast %add3A_415 : i32 to vector<16xi32>
      %add3A_417 = arith.addi %add3A_382, %add3A_416 : vector<16xi32>
      %gather3A_418 = tpu.vector_load_idx %arg26[%add3A_417] : memref<1040xf32, #tpu.memory_space<vmem>>[vector<16xi32>], vector<16xf32>,
      %swap3A_419 = arith.constant 20 : i32
      %swap3A_420 = arith.index_cast %swap3A_419 : i32 to index
      %swap3A_421 = arith.index_cast %mul3A_233 : i32 to index
      %swap3A_422 = tpu.vector_load %arg27[%swap3A_420, %swap3A_421] {strides = array<i32>} : memref<32x512xf32, #tpu.memory_space<vmem>>, vector<16xf32>,
      tpu.vector_store %arg27[%swap3A_420, %swap3A_421], %gather3A_418 {strides = array<i32>} : memref<32x512xf32, #tpu.memory_space<vmem>>, vector<16xf32>,
      %add3A_423 = arith.constant 5 : i32
      %add3A_424 = vector.broadcast %add3A_423 : i32 to vector<16xi32>
      %add3A_425 = arith.addi %add3A_382, %add3A_424 : vector<16xi32>
      %gather3A_426 = tpu.vector_load_idx %arg26[%add3A_425] : memref<1040xf32, #tpu.memory_space<vmem>>[vector<16xi32>], vector<16xf32>,
      %swap3A_427 = arith.constant 21 : i32
      %swap3A_428 = arith.index_cast %swap3A_427 : i32 to index
      %swap3A_429 = arith.index_cast %mul3A_233 : i32 to index
      %swap3A_430 = tpu.vector_load %arg27[%swap3A_428, %swap3A_429] {strides = array<i32>} : memref<32x512xf32, #tpu.memory_space<vmem>>, vector<16xf32>,
      tpu.vector_store %arg27[%swap3A_428, %swap3A_429], %gather3A_426 {strides = array<i32>} : memref<32x512xf32, #tpu.memory_space<vmem>>, vector<16xf32>,
      %add3A_431 = arith.constant 6 : i32
      %add3A_432 = vector.broadcast %add3A_431 : i32 to vector<16xi32>
      %add3A_433 = arith.addi %add3A_382, %add3A_432 : vector<16xi32>
      %gather3A_434 = tpu.vector_load_idx %arg26[%add3A_433] : memref<1040xf32, #tpu.memory_space<vmem>>[vector<16xi32>], vector<16xf32>,
      %swap3A_435 = arith.constant 22 : i32
      %swap3A_436 = arith.index_cast %swap3A_435 : i32 to index
      %swap3A_437 = arith.index_cast %mul3A_233 : i32 to index
      %swap3A_438 = tpu.vector_load %arg27[%swap3A_436, %swap3A_437] {strides = array<i32>} : memref<32x512xf32, #tpu.memory_space<vmem>>, vector<16xf32>,
      tpu.vector_store %arg27[%swap3A_436, %swap3A_437], %gather3A_434 {strides = array<i32>} : memref<32x512xf32, #tpu.memory_space<vmem>>, vector<16xf32>,
      %add3A_439 = arith.constant 7 : i32
      %add3A_440 = vector.broadcast %add3A_439 : i32 to vector<16xi32>
      %add3A_441 = arith.addi %add3A_382, %add3A_440 : vector<16xi32>
      %gather3A_442 = tpu.vector_load_idx %arg26[%add3A_441] : memref<1040xf32, #tpu.memory_space<vmem>>[vector<16xi32>], vector<16xf32>,
      %swap3A_443 = arith.constant 23 : i32
      %swap3A_444 = arith.index_cast %swap3A_443 : i32 to index
      %swap3A_445 = arith.index_cast %mul3A_233 : i32 to index
      %swap3A_446 = tpu.vector_load %arg27[%swap3A_444, %swap3A_445] {strides = array<i32>} : memref<32x512xf32, #tpu.memory_space<vmem>>, vector<16xf32>,
      tpu.vector_store %arg27[%swap3A_444, %swap3A_445], %gather3A_442 {strides = array<i32>} : memref<32x512xf32, #tpu.memory_space<vmem>>, vector<16xf32>,
      %get3A_447 = arith.index_cast %mul3A_233 : i32 to index
      %get3A_448 = tpu.vector_load %arg19[%get3A_447] {strides = array<i32>} : memref<512xi32, #tpu.memory_space<vmem>>, vector<16xi32>,
      %mul3A_449 = arith.constant 8 : i32
      %mul3A_450 = vector.broadcast %mul3A_449 : i32 to vector<16xi32>
      %mul3A_451 = arith.muli %get3A_448, %mul3A_450 : vector<16xi32>
      %add3A_452 = arith.constant 240 : i32
      %add3A_453 = vector.broadcast %add3A_452 : i32 to vector<16xi32>
      %add3A_454 = arith.addi %mul3A_451, %add3A_453 : vector<16xi32>
      %add3A_455 = arith.constant 0 : i32
      %add3A_456 = vector.broadcast %add3A_455 : i32 to vector<16xi32>
      %add3A_457 = arith.addi %add3A_454, %add3A_456 : vector<16xi32>
      %gather3A_458 = tpu.vector_load_idx %arg26[%add3A_457] : memref<1040xf32, #tpu.memory_space<vmem>>[vector<16xi32>], vector<16xf32>,
      %swap3A_459 = arith.constant 24 : i32
      %swap3A_460 = arith.index_cast %swap3A_459 : i32 to index
      %swap3A_461 = arith.index_cast %mul3A_233 : i32 to index
      %swap3A_462 = tpu.vector_load %arg27[%swap3A_460, %swap3A_461] {strides = array<i32>} : memref<32x512xf32, #tpu.memory_space<vmem>>, vector<16xf32>,
      tpu.vector_store %arg27[%swap3A_460, %swap3A_461], %gather3A_458 {strides = array<i32>} : memref<32x512xf32, #tpu.memory_space<vmem>>, vector<16xf32>,
      %add3A_463 = arith.constant 1 : i32
      %add3A_464 = vector.broadcast %add3A_463 : i32 to vector<16xi32>
      %add3A_465 = arith.addi %add3A_454, %add3A_464 : vector<16xi32>
      %gather3A_466 = tpu.vector_load_idx %arg26[%add3A_465] : memref<1040xf32, #tpu.memory_space<vmem>>[vector<16xi32>], vector<16xf32>,
      %swap3A_467 = arith.constant 25 : i32
      %swap3A_468 = arith.index_cast %swap3A_467 : i32 to index
      %swap3A_469 = arith.index_cast %mul3A_233 : i32 to index
      %swap3A_470 = tpu.vector_load %arg27[%swap3A_468, %swap3A_469] {strides = array<i32>} : memref<32x512xf32, #tpu.memory_space<vmem>>, vector<16xf32>,
      tpu.vector_store %arg27[%swap3A_468, %swap3A_469], %gather3A_466 {strides = array<i32>} : memref<32x512xf32, #tpu.memory_space<vmem>>, vector<16xf32>,
      %add3A_471 = arith.constant 2 : i32
      %add3A_472 = vector.broadcast %add3A_471 : i32 to vector<16xi32>
      %add3A_473 = arith.addi %add3A_454, %add3A_472 : vector<16xi32>
      %gather3A_474 = tpu.vector_load_idx %arg26[%add3A_473] : memref<1040xf32, #tpu.memory_space<vmem>>[vector<16xi32>], vector<16xf32>,
      %swap3A_475 = arith.constant 26 : i32
      %swap3A_476 = arith.index_cast %swap3A_475 : i32 to index
      %swap3A_477 = arith.index_cast %mul3A_233 : i32 to index
      %swap3A_478 = tpu.vector_load %arg27[%swap3A_476, %swap3A_477] {strides = array<i32>} : memref<32x512xf32, #tpu.memory_space<vmem>>, vector<16xf32>,
      tpu.vector_store %arg27[%swap3A_476, %swap3A_477], %gather3A_474 {strides = array<i32>} : memref<32x512xf32, #tpu.memory_space<vmem>>, vector<16xf32>,
      %add3A_479 = arith.constant 3 : i32
      %add3A_480 = vector.broadcast %add3A_479 : i32 to vector<16xi32>
      %add3A_481 = arith.addi %add3A_454, %add3A_480 : vector<16xi32>
      %gather3A_482 = tpu.vector_load_idx %arg26[%add3A_481] : memref<1040xf32, #tpu.memory_space<vmem>>[vector<16xi32>], vector<16xf32>,
      %swap3A_483 = arith.constant 27 : i32
      %swap3A_484 = arith.index_cast %swap3A_483 : i32 to index
      %swap3A_485 = arith.index_cast %mul3A_233 : i32 to index
      %swap3A_486 = tpu.vector_load %arg27[%swap3A_484, %swap3A_485] {strides = array<i32>} : memref<32x512xf32, #tpu.memory_space<vmem>>, vector<16xf32>,
      tpu.vector_store %arg27[%swap3A_484, %swap3A_485], %gather3A_482 {strides = array<i32>} : memref<32x512xf32, #tpu.memory_space<vmem>>, vector<16xf32>,
      %add3A_487 = arith.constant 4 : i32
      %add3A_488 = vector.broadcast %add3A_487 : i32 to vector<16xi32>
      %add3A_489 = arith.addi %add3A_454, %add3A_488 : vector<16xi32>
      %gather3A_490 = tpu.vector_load_idx %arg26[%add3A_489] : memref<1040xf32, #tpu.memory_space<vmem>>[vector<16xi32>], vector<16xf32>,
      %swap3A_491 = arith.constant 28 : i32
      %swap3A_492 = arith.index_cast %swap3A_491 : i32 to index
      %swap3A_493 = arith.index_cast %mul3A_233 : i32 to index
      %swap3A_494 = tpu.vector_load %arg27[%swap3A_492, %swap3A_493] {strides = array<i32>} : memref<32x512xf32, #tpu.memory_space<vmem>>, vector<16xf32>,
      tpu.vector_store %arg27[%swap3A_492, %swap3A_493], %gather3A_490 {strides = array<i32>} : memref<32x512xf32, #tpu.memory_space<vmem>>, vector<16xf32>,
      %add3A_495 = arith.constant 5 : i32
      %add3A_496 = vector.broadcast %add3A_495 : i32 to vector<16xi32>
      %add3A_497 = arith.addi %add3A_454, %add3A_496 : vector<16xi32>
      %gather3A_498 = tpu.vector_load_idx %arg26[%add3A_497] : memref<1040xf32, #tpu.memory_space<vmem>>[vector<16xi32>], vector<16xf32>,
      %swap3A_499 = arith.constant 29 : i32
      %swap3A_500 = arith.index_cast %swap3A_499 : i32 to index
      %swap3A_501 = arith.index_cast %mul3A_233 : i32 to index
      %swap3A_502 = tpu.vector_load %arg27[%swap3A_500, %swap3A_501] {strides = array<i32>} : memref<32x512xf32, #tpu.memory_space<vmem>>, vector<16xf32>,
      tpu.vector_store %arg27[%swap3A_500, %swap3A_501], %gather3A_498 {strides = array<i32>} : memref<32x512xf32, #tpu.memory_space<vmem>>, vector<16xf32>,
      %add3A_503 = arith.constant 6 : i32
      %add3A_504 = vector.broadcast %add3A_503 : i32 to vector<16xi32>
      %add3A_505 = arith.addi %add3A_454, %add3A_504 : vector<16xi32>
      %gather3A_506 = tpu.vector_load_idx %arg26[%add3A_505] : memref<1040xf32, #tpu.memory_space<vmem>>[vector<16xi32>], vector<16xf32>,
      %swap3A_507 = arith.constant 30 : i32
      %swap3A_508 = arith.index_cast %swap3A_507 : i32 to index
      %swap3A_509 = arith.index_cast %mul3A_233 : i32 to index
      %swap3A_510 = tpu.vector_load %arg27[%swap3A_508, %swap3A_509] {strides = array<i32>} : memref<32x512xf32, #tpu.memory_space<vmem>>, vector<16xf32>,
      tpu.vector_store %arg27[%swap3A_508, %swap3A_509], %gather3A_506 {strides = array<i32>} : memref<32x512xf32, #tpu.memory_space<vmem>>, vector<16xf32>,
      %add3A_511 = arith.constant 7 : i32
      %add3A_512 = vector.broadcast %add3A_511 : i32 to vector<16xi32>
      %add3A_513 = arith.addi %add3A_454, %add3A_512 : vector<16xi32>
      %gather3A_514 = tpu.vector_load_idx %arg26[%add3A_513] : memref<1040xf32, #tpu.memory_space<vmem>>[vector<16xi32>], vector<16xf32>,
      %swap3A_515 = arith.constant 31 : i32
      %swap3A_516 = arith.index_cast %swap3A_515 : i32 to index
      %swap3A_517 = arith.index_cast %mul3A_233 : i32 to index
      %swap3A_518 = tpu.vector_load %arg27[%swap3A_516, %swap3A_517] {strides = array<i32>} : memref<32x512xf32, #tpu.memory_space<vmem>>, vector<16xf32>,
      tpu.vector_store %arg27[%swap3A_516, %swap3A_517], %gather3A_514 {strides = array<i32>} : memref<32x512xf32, #tpu.memory_space<vmem>>, vector<16xf32>,
    }
    %scan3A_80 = arith.constant 32 : i32
    %dma_start3A_81 = arith.constant 0 : i32
    %dma_start3A_82 = tpu.memref_slice %arg13[%dma_start3A_81, %mul3A_2] : memref<32x16384xf32, #tpu.memory_space<hbm>> -> memref<32x512xf32, #tpu.memory_space<hbm>>
    %dma_start3A_83 = arith.constant 0 : i32
    %dma_start3A_84 = tpu.memref_slice %arg13[%dma_start3A_83, %mul3A_2] : memref<32x16384xf32, #tpu.memory_space<hbm>> -> memref<32x512xf32, #tpu.memory_space<hbm>>
    tpu.enqueue_dma source(%arg27 : memref<32x512xf32, #tpu.memory_space<vmem>>) target(%dma_start3A_84 : memref<32x512xf32, #tpu.memory_space<hbm>>) target_semaphore(%arg30 : memref<!tpu.dma_semaphore, #tpu.memory_space<semaphore_mem>>)
    %add3A_85 = arith.constant 0 : i32
    %add3A_86 = arith.addi %mul3A_2, %add3A_85 : i32
    %dma_wait3A_87 = arith.constant 0 : i32
    %dma_wait3A_88 = arith.constant 0 : i32
    %dma_wait3A_89 = tpu.memref_slice %arg14[%dma_wait3A_87, %dma_wait3A_88] : memref<4x128xi32, #tpu.memory_space<vmem>> -> memref<1x128xi32, #tpu.memory_space<vmem>>
    %dma_wait3A_90 = tpu.memref_squeeze %dma_wait3A_89 : memref<1x128xi32, #tpu.memory_space<vmem>> -> memref<128xi32, #tpu.memory_space<vmem>>
    %dma_wait3A_91 = arith.constant 0 : i32
    %dma_wait3A_92 = arith.constant 0 : i32
    %dma_wait3A_93 = tpu.memref_slice %arg8[%dma_wait3A_91, %dma_wait3A_92] : memref<1000000x128xf32, #tpu.memory_space<hbm>> -> memref<1000000x128xf32, #tpu.memory_space<hbm>>
    tpu.wait_indirect_dma semaphore(%arg31 : memref<!tpu.dma_semaphore, #tpu.memory_space<semaphore_mem>>) src(%dma_wait3A_93 : memref<1000000x128xf32, #tpu.memory_space<hbm>>) dst(%arg20 : memref<128x128xf32, #tpu.memory_space<vmem>>)
    %dma_wait3A_94 = arith.constant 0 : i32
    %dma_wait3A_95 = arith.constant 0 : i32
    %dma_wait3A_96 = tpu.memref_slice %arg15[%dma_wait3A_94, %dma_wait3A_95] : memref<4x128xi32, #tpu.memory_space<vmem>> -> memref<1x128xi32, #tpu.memory_space<vmem>>
    %dma_wait3A_97 = tpu.memref_squeeze %dma_wait3A_96 : memref<1x128xi32, #tpu.memory_space<vmem>> -> memref<128xi32, #tpu.memory_space<vmem>>
    %dma_wait3A_98 = arith.constant 0 : i32
    %dma_wait3A_99 = arith.constant 0 : i32
    %dma_wait3A_100 = tpu.memref_slice %arg9[%dma_wait3A_98, %dma_wait3A_99] : memref<100000x128xf32, #tpu.memory_space<hbm>> -> memref<100000x128xf32, #tpu.memory_space<hbm>>
    tpu.wait_indirect_dma semaphore(%arg34 : memref<!tpu.dma_semaphore, #tpu.memory_space<semaphore_mem>>) src(%dma_wait3A_100 : memref<100000x128xf32, #tpu.memory_space<hbm>>) dst(%arg23 : memref<128x128xf32, #tpu.memory_space<vmem>>)
    %dma_start3A_101 = arith.constant 0 : i32
    %dma_start3A_102 = tpu.memref_slice %arg11[%add3A_86, %dma_start3A_101] : memref<16384x128xf32, #tpu.memory_space<hbm>> -> memref<128x128xf32, #tpu.memory_space<hbm>>
    %dma_start3A_103 = arith.constant 0 : i32
    %dma_start3A_104 = tpu.memref_slice %arg11[%add3A_86, %dma_start3A_103] : memref<16384x128xf32, #tpu.memory_space<hbm>> -> memref<128x128xf32, #tpu.memory_space<hbm>>
    tpu.enqueue_dma source(%arg20 : memref<128x128xf32, #tpu.memory_space<vmem>>) target(%dma_start3A_104 : memref<128x128xf32, #tpu.memory_space<hbm>>) target_semaphore(%arg31 : memref<!tpu.dma_semaphore, #tpu.memory_space<semaphore_mem>>)
    %dma_start3A_105 = arith.constant 0 : i32
    %dma_start3A_106 = tpu.memref_slice %arg12[%add3A_86, %dma_start3A_105] : memref<16384x128xf32, #tpu.memory_space<hbm>> -> memref<128x128xf32, #tpu.memory_space<hbm>>
    %dma_start3A_107 = arith.constant 0 : i32
    %dma_start3A_108 = tpu.memref_slice %arg12[%add3A_86, %dma_start3A_107] : memref<16384x128xf32, #tpu.memory_space<hbm>> -> memref<128x128xf32, #tpu.memory_space<hbm>>
    tpu.enqueue_dma source(%arg23 : memref<128x128xf32, #tpu.memory_space<vmem>>) target(%dma_start3A_108 : memref<128x128xf32, #tpu.memory_space<hbm>>) target_semaphore(%arg34 : memref<!tpu.dma_semaphore, #tpu.memory_space<semaphore_mem>>)
    %dma_wait3A_109 = arith.constant 0 : i32
    %dma_wait3A_110 = tpu.memref_slice %arg11[%add3A_86, %dma_wait3A_109] : memref<16384x128xf32, #tpu.memory_space<hbm>> -> memref<128x128xf32, #tpu.memory_space<hbm>>
    %dma_wait3A_111 = arith.constant 0 : i32
    %dma_wait3A_112 = tpu.memref_slice %arg11[%add3A_86, %dma_wait3A_111] : memref<16384x128xf32, #tpu.memory_space<hbm>> -> memref<128x128xf32, #tpu.memory_space<hbm>>
    tpu.wait_dma2 semaphore(%arg31 : memref<!tpu.dma_semaphore, #tpu.memory_space<semaphore_mem>>) src(%arg20 : memref<128x128xf32, #tpu.memory_space<vmem>>) dst(%dma_wait3A_112 : memref<128x128xf32, #tpu.memory_space<hbm>>)
    %dma_wait3A_113 = arith.constant 0 : i32
    %dma_wait3A_114 = tpu.memref_slice %arg12[%add3A_86, %dma_wait3A_113] : memref<16384x128xf32, #tpu.memory_space<hbm>> -> memref<128x128xf32, #tpu.memory_space<hbm>>
    %dma_wait3A_115 = arith.constant 0 : i32
    %dma_wait3A_116 = tpu.memref_slice %arg12[%add3A_86, %dma_wait3A_115] : memref<16384x128xf32, #tpu.memory_space<hbm>> -> memref<128x128xf32, #tpu.memory_space<hbm>>
    tpu.wait_dma2 semaphore(%arg34 : memref<!tpu.dma_semaphore, #tpu.memory_space<semaphore_mem>>) src(%arg23 : memref<128x128xf32, #tpu.memory_space<vmem>>) dst(%dma_wait3A_116 : memref<128x128xf32, #tpu.memory_space<hbm>>)
    %dma_start3A_117 = arith.constant 3 : i32
    %dma_start3A_118 = arith.constant 0 : i32
    %dma_start3A_119 = tpu.memref_slice %arg14[%dma_start3A_117, %dma_start3A_118] : memref<4x128xi32, #tpu.memory_space<vmem>> -> memref<1x128xi32, #tpu.memory_space<vmem>>
    %dma_start3A_120 = tpu.memref_squeeze %dma_start3A_119 : memref<1x128xi32, #tpu.memory_space<vmem>> -> memref<128xi32, #tpu.memory_space<vmem>>
    %dma_start3A_121 = arith.constant 0 : i32
    %dma_start3A_122 = arith.constant 0 : i32
    %dma_start3A_123 = tpu.memref_slice %arg8[%dma_start3A_121, %dma_start3A_122] : memref<1000000x128xf32, #tpu.memory_space<hbm>> -> memref<1000000x128xf32, #tpu.memory_space<hbm>>
    tpu.enqueue_indirect_dma source(%dma_start3A_123 : memref<1000000x128xf32, #tpu.memory_space<hbm>>) target(%arg20 : memref<128x128xf32, #tpu.memory_space<vmem>>) offsets(%dma_start3A_120 : memref<128xi32, #tpu.memory_space<vmem>>) semaphore(%arg31 : memref<!tpu.dma_semaphore, #tpu.memory_space<semaphore_mem>>)
    %dma_start3A_124 = arith.constant 3 : i32
    %dma_start3A_125 = arith.constant 0 : i32
    %dma_start3A_126 = tpu.memref_slice %arg15[%dma_start3A_124, %dma_start3A_125] : memref<4x128xi32, #tpu.memory_space<vmem>> -> memref<1x128xi32, #tpu.memory_space<vmem>>
    %dma_start3A_127 = tpu.memref_squeeze %dma_start3A_126 : memref<1x128xi32, #tpu.memory_space<vmem>> -> memref<128xi32, #tpu.memory_space<vmem>>
    %dma_start3A_128 = arith.constant 0 : i32
    %dma_start3A_129 = arith.constant 0 : i32
    %dma_start3A_130 = tpu.memref_slice %arg9[%dma_start3A_128, %dma_start3A_129] : memref<100000x128xf32, #tpu.memory_space<hbm>> -> memref<100000x128xf32, #tpu.memory_space<hbm>>
    tpu.enqueue_indirect_dma source(%dma_start3A_130 : memref<100000x128xf32, #tpu.memory_space<hbm>>) target(%arg23 : memref<128x128xf32, #tpu.memory_space<vmem>>) offsets(%dma_start3A_127 : memref<128xi32, #tpu.memory_space<vmem>>) semaphore(%arg34 : memref<!tpu.dma_semaphore, #tpu.memory_space<semaphore_mem>>)
    %add3A_131 = arith.constant 128 : i32
    %add3A_132 = arith.addi %mul3A_2, %add3A_131 : i32
    %dma_wait3A_133 = arith.constant 1 : i32
    %dma_wait3A_134 = arith.constant 0 : i32
    %dma_wait3A_135 = tpu.memref_slice %arg14[%dma_wait3A_133, %dma_wait3A_134] : memref<4x128xi32, #tpu.memory_space<vmem>> -> memref<1x128xi32, #tpu.memory_space<vmem>>
    %dma_wait3A_136 = tpu.memref_squeeze %dma_wait3A_135 : memref<1x128xi32, #tpu.memory_space<vmem>> -> memref<128xi32, #tpu.memory_space<vmem>>
    %dma_wait3A_137 = arith.constant 0 : i32
    %dma_wait3A_138 = arith.constant 0 : i32
    %dma_wait3A_139 = tpu.memref_slice %arg8[%dma_wait3A_137, %dma_wait3A_138] : memref<1000000x128xf32, #tpu.memory_space<hbm>> -> memref<1000000x128xf32, #tpu.memory_space<hbm>>
    tpu.wait_indirect_dma semaphore(%arg32 : memref<!tpu.dma_semaphore, #tpu.memory_space<semaphore_mem>>) src(%dma_wait3A_139 : memref<1000000x128xf32, #tpu.memory_space<hbm>>) dst(%arg21 : memref<128x128xf32, #tpu.memory_space<vmem>>)
    %dma_wait3A_140 = arith.constant 1 : i32
    %dma_wait3A_141 = arith.constant 0 : i32
    %dma_wait3A_142 = tpu.memref_slice %arg15[%dma_wait3A_140, %dma_wait3A_141] : memref<4x128xi32, #tpu.memory_space<vmem>> -> memref<1x128xi32, #tpu.memory_space<vmem>>
    %dma_wait3A_143 = tpu.memref_squeeze %dma_wait3A_142 : memref<1x128xi32, #tpu.memory_space<vmem>> -> memref<128xi32, #tpu.memory_space<vmem>>
    %dma_wait3A_144 = arith.constant 0 : i32
    %dma_wait3A_145 = arith.constant 0 : i32
    %dma_wait3A_146 = tpu.memref_slice %arg9[%dma_wait3A_144, %dma_wait3A_145] : memref<100000x128xf32, #tpu.memory_space<hbm>> -> memref<100000x128xf32, #tpu.memory_space<hbm>>
    tpu.wait_indirect_dma semaphore(%arg35 : memref<!tpu.dma_semaphore, #tpu.memory_space<semaphore_mem>>) src(%dma_wait3A_146 : memref<100000x128xf32, #tpu.memory_space<hbm>>) dst(%arg24 : memref<128x128xf32, #tpu.memory_space<vmem>>)
    %dma_start3A_147 = arith.constant 0 : i32
    %dma_start3A_148 = tpu.memref_slice %arg11[%add3A_132, %dma_start3A_147] : memref<16384x128xf32, #tpu.memory_space<hbm>> -> memref<128x128xf32, #tpu.memory_space<hbm>>
    %dma_start3A_149 = arith.constant 0 : i32
    %dma_start3A_150 = tpu.memref_slice %arg11[%add3A_132, %dma_start3A_149] : memref<16384x128xf32, #tpu.memory_space<hbm>> -> memref<128x128xf32, #tpu.memory_space<hbm>>
    tpu.enqueue_dma source(%arg21 : memref<128x128xf32, #tpu.memory_space<vmem>>) target(%dma_start3A_150 : memref<128x128xf32, #tpu.memory_space<hbm>>) target_semaphore(%arg32 : memref<!tpu.dma_semaphore, #tpu.memory_space<semaphore_mem>>)
    %dma_start3A_151 = arith.constant 0 : i32
    %dma_start3A_152 = tpu.memref_slice %arg12[%add3A_132, %dma_start3A_151] : memref<16384x128xf32, #tpu.memory_space<hbm>> -> memref<128x128xf32, #tpu.memory_space<hbm>>
    %dma_start3A_153 = arith.constant 0 : i32
    %dma_start3A_154 = tpu.memref_slice %arg12[%add3A_132, %dma_start3A_153] : memref<16384x128xf32, #tpu.memory_space<hbm>> -> memref<128x128xf32, #tpu.memory_space<hbm>>
    tpu.enqueue_dma source(%arg24 : memref<128x128xf32, #tpu.memory_space<vmem>>) target(%dma_start3A_154 : memref<128x128xf32, #tpu.memory_space<hbm>>) target_semaphore(%arg35 : memref<!tpu.dma_semaphore, #tpu.memory_space<semaphore_mem>>)
    %add3A_155 = arith.constant 256 : i32
    %add3A_156 = arith.addi %mul3A_2, %add3A_155 : i32
    %dma_wait3A_157 = arith.constant 2 : i32
    %dma_wait3A_158 = arith.constant 0 : i32
    %dma_wait3A_159 = tpu.memref_slice %arg14[%dma_wait3A_157, %dma_wait3A_158] : memref<4x128xi32, #tpu.memory_space<vmem>> -> memref<1x128xi32, #tpu.memory_space<vmem>>
    %dma_wait3A_160 = tpu.memref_squeeze %dma_wait3A_159 : memref<1x128xi32, #tpu.memory_space<vmem>> -> memref<128xi32, #tpu.memory_space<vmem>>
    %dma_wait3A_161 = arith.constant 0 : i32
    %dma_wait3A_162 = arith.constant 0 : i32
    %dma_wait3A_163 = tpu.memref_slice %arg8[%dma_wait3A_161, %dma_wait3A_162] : memref<1000000x128xf32, #tpu.memory_space<hbm>> -> memref<1000000x128xf32, #tpu.memory_space<hbm>>
    tpu.wait_indirect_dma semaphore(%arg33 : memref<!tpu.dma_semaphore, #tpu.memory_space<semaphore_mem>>) src(%dma_wait3A_163 : memref<1000000x128xf32, #tpu.memory_space<hbm>>) dst(%arg22 : memref<128x128xf32, #tpu.memory_space<vmem>>)
    %dma_wait3A_164 = arith.constant 2 : i32
    %dma_wait3A_165 = arith.constant 0 : i32
    %dma_wait3A_166 = tpu.memref_slice %arg15[%dma_wait3A_164, %dma_wait3A_165] : memref<4x128xi32, #tpu.memory_space<vmem>> -> memref<1x128xi32, #tpu.memory_space<vmem>>
    %dma_wait3A_167 = tpu.memref_squeeze %dma_wait3A_166 : memref<1x128xi32, #tpu.memory_space<vmem>> -> memref<128xi32, #tpu.memory_space<vmem>>
    %dma_wait3A_168 = arith.constant 0 : i32
    %dma_wait3A_169 = arith.constant 0 : i32
    %dma_wait3A_170 = tpu.memref_slice %arg9[%dma_wait3A_168, %dma_wait3A_169] : memref<100000x128xf32, #tpu.memory_space<hbm>> -> memref<100000x128xf32, #tpu.memory_space<hbm>>
    tpu.wait_indirect_dma semaphore(%arg36 : memref<!tpu.dma_semaphore, #tpu.memory_space<semaphore_mem>>) src(%dma_wait3A_170 : memref<100000x128xf32, #tpu.memory_space<hbm>>) dst(%arg25 : memref<128x128xf32, #tpu.memory_space<vmem>>)
    %dma_start3A_171 = arith.constant 0 : i32
    %dma_start3A_172 = tpu.memref_slice %arg11[%add3A_156, %dma_start3A_171] : memref<16384x128xf32, #tpu.memory_space<hbm>> -> memref<128x128xf32, #tpu.memory_space<hbm>>
    %dma_start3A_173 = arith.constant 0 : i32
    %dma_start3A_174 = tpu.memref_slice %arg11[%add3A_156, %dma_start3A_173] : memref<16384x128xf32, #tpu.memory_space<hbm>> -> memref<128x128xf32, #tpu.memory_space<hbm>>
    tpu.enqueue_dma source(%arg22 : memref<128x128xf32, #tpu.memory_space<vmem>>) target(%dma_start3A_174 : memref<128x128xf32, #tpu.memory_space<hbm>>) target_semaphore(%arg33 : memref<!tpu.dma_semaphore, #tpu.memory_space<semaphore_mem>>)
    %dma_start3A_175 = arith.constant 0 : i32
    %dma_start3A_176 = tpu.memref_slice %arg12[%add3A_156, %dma_start3A_175] : memref<16384x128xf32, #tpu.memory_space<hbm>> -> memref<128x128xf32, #tpu.memory_space<hbm>>
    %dma_start3A_177 = arith.constant 0 : i32
    %dma_start3A_178 = tpu.memref_slice %arg12[%add3A_156, %dma_start3A_177] : memref<16384x128xf32, #tpu.memory_space<hbm>> -> memref<128x128xf32, #tpu.memory_space<hbm>>
    tpu.enqueue_dma source(%arg25 : memref<128x128xf32, #tpu.memory_space<vmem>>) target(%dma_start3A_178 : memref<128x128xf32, #tpu.memory_space<hbm>>) target_semaphore(%arg36 : memref<!tpu.dma_semaphore, #tpu.memory_space<semaphore_mem>>)
    %add3A_179 = arith.constant 384 : i32
    %add3A_180 = arith.addi %mul3A_2, %add3A_179 : i32
    %dma_wait3A_181 = arith.constant 3 : i32
    %dma_wait3A_182 = arith.constant 0 : i32
    %dma_wait3A_183 = tpu.memref_slice %arg14[%dma_wait3A_181, %dma_wait3A_182] : memref<4x128xi32, #tpu.memory_space<vmem>> -> memref<1x128xi32, #tpu.memory_space<vmem>>
    %dma_wait3A_184 = tpu.memref_squeeze %dma_wait3A_183 : memref<1x128xi32, #tpu.memory_space<vmem>> -> memref<128xi32, #tpu.memory_space<vmem>>
    %dma_wait3A_185 = arith.constant 0 : i32
    %dma_wait3A_186 = arith.constant 0 : i32
    %dma_wait3A_187 = tpu.memref_slice %arg8[%dma_wait3A_185, %dma_wait3A_186] : memref<1000000x128xf32, #tpu.memory_space<hbm>> -> memref<1000000x128xf32, #tpu.memory_space<hbm>>
    tpu.wait_indirect_dma semaphore(%arg31 : memref<!tpu.dma_semaphore, #tpu.memory_space<semaphore_mem>>) src(%dma_wait3A_187 : memref<1000000x128xf32, #tpu.memory_space<hbm>>) dst(%arg20 : memref<128x128xf32, #tpu.memory_space<vmem>>)
    %dma_wait3A_188 = arith.constant 3 : i32
    %dma_wait3A_189 = arith.constant 0 : i32
    %dma_wait3A_190 = tpu.memref_slice %arg15[%dma_wait3A_188, %dma_wait3A_189] : memref<4x128xi32, #tpu.memory_space<vmem>> -> memref<1x128xi32, #tpu.memory_space<vmem>>
    %dma_wait3A_191 = tpu.memref_squeeze %dma_wait3A_190 : memref<1x128xi32, #tpu.memory_space<vmem>> -> memref<128xi32, #tpu.memory_space<vmem>>
    %dma_wait3A_192 = arith.constant 0 : i32
    %dma_wait3A_193 = arith.constant 0 : i32
    %dma_wait3A_194 = tpu.memref_slice %arg9[%dma_wait3A_192, %dma_wait3A_193] : memref<100000x128xf32, #tpu.memory_space<hbm>> -> memref<100000x128xf32, #tpu.memory_space<hbm>>
    tpu.wait_indirect_dma semaphore(%arg34 : memref<!tpu.dma_semaphore, #tpu.memory_space<semaphore_mem>>) src(%dma_wait3A_194 : memref<100000x128xf32, #tpu.memory_space<hbm>>) dst(%arg23 : memref<128x128xf32, #tpu.memory_space<vmem>>)
    %dma_start3A_195 = arith.constant 0 : i32
    %dma_start3A_196 = tpu.memref_slice %arg11[%add3A_180, %dma_start3A_195] : memref<16384x128xf32, #tpu.memory_space<hbm>> -> memref<128x128xf32, #tpu.memory_space<hbm>>
    %dma_start3A_197 = arith.constant 0 : i32
    %dma_start3A_198 = tpu.memref_slice %arg11[%add3A_180, %dma_start3A_197] : memref<16384x128xf32, #tpu.memory_space<hbm>> -> memref<128x128xf32, #tpu.memory_space<hbm>>
    tpu.enqueue_dma source(%arg20 : memref<128x128xf32, #tpu.memory_space<vmem>>) target(%dma_start3A_198 : memref<128x128xf32, #tpu.memory_space<hbm>>) target_semaphore(%arg31 : memref<!tpu.dma_semaphore, #tpu.memory_space<semaphore_mem>>)
    %dma_start3A_199 = arith.constant 0 : i32
    %dma_start3A_200 = tpu.memref_slice %arg12[%add3A_180, %dma_start3A_199] : memref<16384x128xf32, #tpu.memory_space<hbm>> -> memref<128x128xf32, #tpu.memory_space<hbm>>
    %dma_start3A_201 = arith.constant 0 : i32
    %dma_start3A_202 = tpu.memref_slice %arg12[%add3A_180, %dma_start3A_201] : memref<16384x128xf32, #tpu.memory_space<hbm>> -> memref<128x128xf32, #tpu.memory_space<hbm>>
    tpu.enqueue_dma source(%arg23 : memref<128x128xf32, #tpu.memory_space<vmem>>) target(%dma_start3A_202 : memref<128x128xf32, #tpu.memory_space<hbm>>) target_semaphore(%arg34 : memref<!tpu.dma_semaphore, #tpu.memory_space<semaphore_mem>>)
    %dma_wait3A_203 = arith.constant 0 : i32
    %dma_wait3A_204 = tpu.memref_slice %arg11[%add3A_132, %dma_wait3A_203] : memref<16384x128xf32, #tpu.memory_space<hbm>> -> memref<128x128xf32, #tpu.memory_space<hbm>>
    %dma_wait3A_205 = arith.constant 0 : i32
    %dma_wait3A_206 = tpu.memref_slice %arg11[%add3A_132, %dma_wait3A_205] : memref<16384x128xf32, #tpu.memory_space<hbm>> -> memref<128x128xf32, #tpu.memory_space<hbm>>
    tpu.wait_dma2 semaphore(%arg32 : memref<!tpu.dma_semaphore, #tpu.memory_space<semaphore_mem>>) src(%arg21 : memref<128x128xf32, #tpu.memory_space<vmem>>) dst(%dma_wait3A_206 : memref<128x128xf32, #tpu.memory_space<hbm>>)
    %dma_wait3A_207 = arith.constant 0 : i32
    %dma_wait3A_208 = tpu.memref_slice %arg12[%add3A_132, %dma_wait3A_207] : memref<16384x128xf32, #tpu.memory_space<hbm>> -> memref<128x128xf32, #tpu.memory_space<hbm>>
    %dma_wait3A_209 = arith.constant 0 : i32
    %dma_wait3A_210 = tpu.memref_slice %arg12[%add3A_132, %dma_wait3A_209] : memref<16384x128xf32, #tpu.memory_space<hbm>> -> memref<128x128xf32, #tpu.memory_space<hbm>>
    tpu.wait_dma2 semaphore(%arg35 : memref<!tpu.dma_semaphore, #tpu.memory_space<semaphore_mem>>) src(%arg24 : memref<128x128xf32, #tpu.memory_space<vmem>>) dst(%dma_wait3A_210 : memref<128x128xf32, #tpu.memory_space<hbm>>)
    %dma_wait3A_211 = arith.constant 0 : i32
    %dma_wait3A_212 = tpu.memref_slice %arg11[%add3A_156, %dma_wait3A_211] : memref<16384x128xf32, #tpu.memory_space<hbm>> -> memref<128x128xf32, #tpu.memory_space<hbm>>
    %dma_wait3A_213 = arith.constant 0 : i32
    %dma_wait3A_214 = tpu.memref_slice %arg11[%add3A_156, %dma_wait3A_213] : memref<16384x128xf32, #tpu.memory_space<hbm>> -> memref<128x128xf32, #tpu.memory_space<hbm>>
    tpu.wait_dma2 semaphore(%arg33 : memref<!tpu.dma_semaphore, #tpu.memory_space<semaphore_mem>>) src(%arg22 : memref<128x128xf32, #tpu.memory_space<vmem>>) dst(%dma_wait3A_214 : memref<128x128xf32, #tpu.memory_space<hbm>>)
    %dma_wait3A_215 = arith.constant 0 : i32
    %dma_wait3A_216 = tpu.memref_slice %arg12[%add3A_156, %dma_wait3A_215] : memref<16384x128xf32, #tpu.memory_space<hbm>> -> memref<128x128xf32, #tpu.memory_space<hbm>>
    %dma_wait3A_217 = arith.constant 0 : i32
    %dma_wait3A_218 = tpu.memref_slice %arg12[%add3A_156, %dma_wait3A_217] : memref<16384x128xf32, #tpu.memory_space<hbm>> -> memref<128x128xf32, #tpu.memory_space<hbm>>
    tpu.wait_dma2 semaphore(%arg36 : memref<!tpu.dma_semaphore, #tpu.memory_space<semaphore_mem>>) src(%arg25 : memref<128x128xf32, #tpu.memory_space<vmem>>) dst(%dma_wait3A_218 : memref<128x128xf32, #tpu.memory_space<hbm>>)
    %dma_wait3A_219 = arith.constant 0 : i32
    %dma_wait3A_220 = tpu.memref_slice %arg11[%add3A_180, %dma_wait3A_219] : memref<16384x128xf32, #tpu.memory_space<hbm>> -> memref<128x128xf32, #tpu.memory_space<hbm>>
    %dma_wait3A_221 = arith.constant 0 : i32
    %dma_wait3A_222 = tpu.memref_slice %arg11[%add3A_180, %dma_wait3A_221] : memref<16384x128xf32, #tpu.memory_space<hbm>> -> memref<128x128xf32, #tpu.memory_space<hbm>>
    tpu.wait_dma2 semaphore(%arg31 : memref<!tpu.dma_semaphore, #tpu.memory_space<semaphore_mem>>) src(%arg20 : memref<128x128xf32, #tpu.memory_space<vmem>>) dst(%dma_wait3A_222 : memref<128x128xf32, #tpu.memory_space<hbm>>)
    %dma_wait3A_223 = arith.constant 0 : i32
    %dma_wait3A_224 = tpu.memref_slice %arg12[%add3A_180, %dma_wait3A_223] : memref<16384x128xf32, #tpu.memory_space<hbm>> -> memref<128x128xf32, #tpu.memory_space<hbm>>
    %dma_wait3A_225 = arith.constant 0 : i32
    %dma_wait3A_226 = tpu.memref_slice %arg12[%add3A_180, %dma_wait3A_225] : memref<16384x128xf32, #tpu.memory_space<hbm>> -> memref<128x128xf32, #tpu.memory_space<hbm>>
    tpu.wait_dma2 semaphore(%arg34 : memref<!tpu.dma_semaphore, #tpu.memory_space<semaphore_mem>>) src(%arg23 : memref<128x128xf32, #tpu.memory_space<vmem>>) dst(%dma_wait3A_226 : memref<128x128xf32, #tpu.memory_space<hbm>>)
    %dma_wait3A_227 = arith.constant 0 : i32
    %dma_wait3A_228 = tpu.memref_slice %arg13[%dma_wait3A_227, %mul3A_2] : memref<32x16384xf32, #tpu.memory_space<hbm>> -> memref<32x512xf32, #tpu.memory_space<hbm>>
    %dma_wait3A_229 = arith.constant 0 : i32
    %dma_wait3A_230 = tpu.memref_slice %arg13[%dma_wait3A_229, %mul3A_2] : memref<32x16384xf32, #tpu.memory_space<hbm>> -> memref<32x512xf32, #tpu.memory_space<hbm>>
    tpu.wait_dma2 semaphore(%arg30 : memref<!tpu.dma_semaphore, #tpu.memory_space<semaphore_mem>>) src(%arg27 : memref<32x512xf32, #tpu.memory_space<vmem>>) dst(%dma_wait3A_230 : memref<32x512xf32, #tpu.memory_space<hbm>>)
    return
  }
}

module attributes {stable_mosaic.version = 14 : i64} {
  func.func @_tc_body(%arg0: i32, %arg1: memref<4096x128xf32, #tpu.memory_space<vmem>>, %arg2: memref<4096x128xf32, #tpu.memory_space<vmem>>, %arg3: memref<32x4096xf32, #tpu.memory_space<vmem>>, %arg4: memref<160x128xf32, #tpu.memory_space<vmem>>, %arg5: memref<128xf32, #tpu.memory_space<vmem>>, %arg6: memref<1x1x4096xf32, #tpu.memory_space<vmem>>) attributes {dimension_semantics = [#tpu.dimension_semantics<arbitrary>], iteration_bounds = array<i64: 4>, scalar_prefetch = 0 : i64, scratch_operands = 0 : i64, tpu.core_type = #tpu.core_type<tc>, window_params = [{transform_indices = @transform_0, window_bounds = array<i64: 4096, 128>}, {transform_indices = @transform_1, window_bounds = array<i64: 4096, 128>}, {transform_indices = @transform_2, window_bounds = array<i64: 32, 4096>}, {pipeline_mode = #tpu.pipeline_mode<synchronous>, transform_indices = @transform_3, window_bounds = array<i64: 160, 128>}, {pipeline_mode = #tpu.pipeline_mode<synchronous>, transform_indices = @transform_4, window_bounds = array<i64: 128>}, {transform_indices = @transform_5, window_bounds = array<i64: 1, 1, 4096>}]} {
    %get3A = arith.constant 0 : index
    %get3A_0 = arith.constant 0 : index
    %get3A_1 = vector.load %arg1[%get3A, %get3A_0] : memref<4096x128xf32, #tpu.memory_space<vmem>>, vector<4096x128xf32>
    %get3A_2 = arith.constant 0 : index
    %get3A_3 = arith.constant 0 : index
    %get3A_4 = vector.load %arg4[%get3A_2, %get3A_3] : memref<160x128xf32, #tpu.memory_space<vmem>>, vector<128x128xf32>
    %dot_general3A = arith.constant dense<0.000000e+00> : vector<4096x128xf32>
    %dot_general3A_5 = tpu.matmul %get3A_1, %get3A_4, %dot_general3A {dimension_numbers = #tpu.dot_dimension_numbers<[1], [0], [0], [1], [0, 0, 1, 1], [], []>, transpose_lhs_hint = false} : vector<4096x128xf32>, vector<128x128xf32>, vector<4096x128xf32> -> vector<4096x128xf32>
    %get3A_6 = arith.constant 0 : index
    %get3A_7 = arith.constant 0 : index
    %get3A_8 = vector.load %arg3[%get3A_6, %get3A_7] : memref<32x4096xf32, #tpu.memory_space<vmem>>, vector<32x4096xf32>
    %get3A_9 = arith.constant 128 : index
    %get3A_10 = arith.constant 0 : index
    %get3A_11 = vector.load %arg4[%get3A_9, %get3A_10] : memref<160x128xf32, #tpu.memory_space<vmem>>, vector<32x128xf32>
    %dot_general3A_12 = arith.constant dense<0.000000e+00> : vector<4096x128xf32>
    %dot_general3A_13 = tpu.matmul %get3A_8, %get3A_11, %dot_general3A_12 {dimension_numbers = #tpu.dot_dimension_numbers<[0], [0], [1], [1], [0, 1, 1, 1], [], []>, transpose_lhs_hint = false} : vector<32x4096xf32>, vector<32x128xf32>, vector<4096x128xf32> -> vector<4096x128xf32>
    %add3A = arith.addf %dot_general3A_5, %dot_general3A_13 : vector<4096x128xf32>
    %get3A_14 = arith.constant 0 : index
    %get3A_15 = vector.load %arg5[%get3A_14] : memref<128xf32, #tpu.memory_space<vmem>>, vector<128xf32>
    %broadcast_in_dim3A = vector.shape_cast %get3A_15 : vector<128xf32> to vector<1x128xf32>
    %add3A_16 = vector.broadcast %broadcast_in_dim3A : vector<1x128xf32> to vector<4096x128xf32>
    %add3A_17 = arith.addf %add3A, %add3A_16 : vector<4096x128xf32>
    %get3A_18 = arith.constant 0 : index
    %get3A_19 = arith.constant 0 : index
    %get3A_20 = vector.load %arg2[%get3A_18, %get3A_19] : memref<4096x128xf32, #tpu.memory_space<vmem>>, vector<4096x128xf32>
    %mul3A = arith.mulf %add3A_17, %get3A_20 : vector<4096x128xf32>
    %broadcast_in_dim3A_21 = arith.constant 1.000000e+00 : f32
    %broadcast_in_dim3A_22 = vector.broadcast %broadcast_in_dim3A_21 : f32 to vector<8x128xf32>
    %dot_general3A_23 = arith.constant dense<0.000000e+00> : vector<8x4096xf32>
    %dot_general3A_24 = tpu.matmul %broadcast_in_dim3A_22, %mul3A, %dot_general3A_23 {dimension_numbers = #tpu.dot_dimension_numbers<[1], [1], [0], [0], [0, 0, 1, 0], [], []>, transpose_lhs_hint = false} : vector<8x128xf32>, vector<4096x128xf32>, vector<8x4096xf32> -> vector<8x4096xf32>
    %slice3A = vector.extract_strided_slice %dot_general3A_24 {offsets = [0, 0], sizes = [1, 4096], strides = [1, 1]} : vector<8x4096xf32> to vector<1x4096xf32>
    %reshape3A = vector.shape_cast %slice3A : vector<1x4096xf32> to vector<1x1x4096xf32>
    %swap3A = arith.constant 0 : index
    %swap3A_25 = arith.constant 0 : index
    %swap3A_26 = arith.constant 0 : index
    %swap3A_27 = vector.load %arg6[%swap3A, %swap3A_25, %swap3A_26] : memref<1x1x4096xf32, #tpu.memory_space<vmem>>, vector<1x1x4096xf32>
    tpu.vector_store %arg6[%swap3A, %swap3A_25, %swap3A_26], %reshape3A {strides = array<i32>} : memref<1x1x4096xf32, #tpu.memory_space<vmem>>, vector<1x1x4096xf32>,
    return
  }
  func.func @transform_0(%arg0: i32) -> (i32, i32) {
    %c0_i32 = arith.constant 0 : i32
    %c0_i32_0 = arith.constant 0 : i32
    return %arg0, %c0_i32 : i32, i32
  }
  func.func @transform_1(%arg0: i32) -> (i32, i32) {
    %c0_i32 = arith.constant 0 : i32
    %c0_i32_0 = arith.constant 0 : i32
    return %arg0, %c0_i32 : i32, i32
  }
  func.func @transform_2(%arg0: i32) -> (i32, i32) {
    %c0_i32 = arith.constant 0 : i32
    %c0_i32_0 = arith.constant 0 : i32
    return %c0_i32, %arg0 : i32, i32
  }
  func.func @transform_3(%arg0: i32) -> (i32, i32) {
    %c0_i32 = arith.constant 0 : i32
    %c0_i32_0 = arith.constant 0 : i32
    %c0_i32_1 = arith.constant 0 : i32
    return %c0_i32, %c0_i32_0 : i32, i32
  }
  func.func @transform_4(%arg0: i32) -> i32 {
    %c0_i32 = arith.constant 0 : i32
    %c0_i32_0 = arith.constant 0 : i32
    return %c0_i32 : i32
  }
  func.func @transform_5(%arg0: i32) -> (i32, i32, i32) {
    %c0_i32 = arith.constant 0 : i32
    %c0_i32_0 = arith.constant 0 : i32
    %c0_i32_1 = arith.constant 0 : i32
    return %arg0, %c0_i32, %c0_i32_0 : i32, i32, i32
  }
}

</mosaic_0001>

<sc_bundles>
// kernel: kernel.4.cloned.1.call-start
scs
__scs_entry_jumppad:
0x0: {  	(pc) =	sbr.rel $0x88, $3  }
0x1: {  	(tag) =	ssettag $0x0;
	lr =	simm.s32 $0x1  }
0x2: {  	[smem:$0x3F93] =	sst lr;
	_ =	strace $0xD0000000  }
0x3: {  	_ = 	snop  }
0x4: {  	_ = 	snop  }
0x5: {  	_ = 	snop  }
0x6: {  	_ = 	snop  }
0x7: {  	_ = 	snop  }
__scs_overlays_trampoline_lowered:
0x8: {  	[smem:$0x3FA2] =	sst s0  }
0x9: {  	[smem:$0x3FA3] =	sst s1  }
0xa: {  	[smem:$0x3FA4] =	sst s2  }
0xb: {  	[smem:$0x3FA5] =	sst s3  }
0xc: {  	[smem:$0x3FA6] =	sst s4  }
0xd: {  	[smem:$0x3FA7] =	sst s5  }
0xe: {  	[smem:$0x3FA8] =	sst s6  }
0xf: {  	[smem:$0x3FA9] =	sst s7  }
0x10: {  	[smem:$0x3FAA] =	sst s8  }
0x11: {  	[smem:$0x3FAB] =	sst s9;
	s0 =	simm.s32 @!p0 $0x0  }
0x12: {  	s1 =	sld [smem:$0x3F91];
	s0 =	simm.s32 @p0 $0x1  }
0x13: {  	[smem:$0x3FAC] =	sst s0;
	s0 =	simm.s32 @!p1 $0x0  }
0x14: {  	s2 =	sld [smem:$0x3F90];
	s0 =	simm.s32 @p1 $0x1  }
0x15: {  	[smem:$0x3FAD] =	sst s0;
	s0 =	simm.s32 @!p2 $0x0  }
0x16: {  	s3 =	sld [smem:$0x3FDB];
	s0 =	simm.s32 @p2 $0x1  }
0x17: {  	s4 =	simm.s32 $0x1BF5;
	[smem:$0x3FAF] =	sst s0  }
0x18: {  	s0 =	sld [smem:$0x3F92];
	_ =	swait.ge [sflag:s4], $0x0  }
0x19: {  	s7 =	sld [smem:$0x3F93]  }
0x1a: {  	s8 =	sadd.s32 $0xFFFFE003, lr  }
0x1b: {  	s9 =	sadd.s32 $0xFFFFFEF7, lr;
	s5 =	simm.s32 $0xFFFFFFFF;
	p2 =	slt.u32 s8, $0xFFFFF086  }
0x1c: {  	p1 =	slt.u32 s9, $0xF7A;
	s5 =	simm.s32 @!p2 $0x0  }
0x1d: {  	s5 =	simm.s32 @p1 $0x1;
	p0 =	seq.s32 s7, s2  }
0x1e: {  	s7 =	smul.u32 @!p0 $0xF7A, s2;
	p2 =	seq.s32 @!p0 s5, $0x0  }
0x1f: {  	s9 =	smul.u32 $0xF7A, s1;
	s8 =	simm.s32 @!p0 $0x1BF5;
	p2 =	por !p2, p0  }
0x20: {  	[sflag:s8] =	ssyncset.s32 @!p0 $0xFFFFF086;
	s6 =	sadd.s32 @!p0 s3, s7;
	s7 =	simm.s32 @!p0 $0x108  }
0x21: {  	s3 =	sadd.s32 s3, s9;
	s6 =	sadd.s32 @!p0 $0x88, s6;
	s7 =	simm.s32 @p2 $0x1082  }
0x22: {  	[simem:s7], [sflag:s8] =	dma.local @!p0 [hbm:s6], $0xF7A  }
0x23: {  	s9 =	sor.u32 $0xD0000000, s2;
	s6 =	simm.s32 $0x108;
	_ =	swait.ge @!p0 [sflag:s8], $0x0  }
0x24: {  	s3 =	sadd.s32 $0x88, s3;
	s6 =	simm.s32 @!p1 $0x1082;
	[sflag:s4] =	ssyncset.s32 $0xFFFFF086  }
0x25: {  	[simem:s6], [sflag:s4] =	dma.local [hbm:s3], $0xF7A  }
0x26: {  	[smem:$0x3F93] =	sst s1;
	(tag) =	ssettag s2;
	_ =	strace s9  }
0x27: {  	s1 =	sld [smem:$0x3FA3]  }
0x28: {  	s2 =	sld [smem:$0x3FA4]  }
0x29: {  	s4 =	sld [smem:$0x3FA6]  }
0x2a: {  	p0 =	seq.s32 s5, $0x0;
	s5 =	sld [smem:$0x3FA7]  }
0x2b: {  	s6 =	sld [smem:$0x3FA8]  }
0x2c: {  	s7 =	sld [smem:$0x3FA9]  }
0x2d: {  	s3 =	simm.s32 $0x108;
	s8 =	sld [smem:$0x3FAA]  }
0x2e: {  	s3 =	simm.s32 @!p0 $0x1082;
	s9 =	sld [smem:$0x3FAB]  }
0x2f: {  	lr =	sadd.s32 s0, s3;
	s0 =	sld [smem:$0x3FA2]  }
0x30: {  	s3 =	sld [smem:$0x3FA5]  }
0x31: {  	[smem:$0x3FAE] =	sst s10  }
0x32: {  	s10 =	sld [smem:$0x3FAC];
	_ =	sdelay $0x3  }
0x33: {  	p0 =	seq.s32 s10, $0x1;
	s10 =	sld [smem:$0x3FAE];
	_ =	sdelay $0x3  }
0x34: {  	[smem:$0x3FAE] =	sst s10  }
0x35: {  	s10 =	sld [smem:$0x3FAD];
	_ =	sdelay $0x3  }
0x36: {  	p1 =	seq.s32 s10, $0x1;
	s10 =	sld [smem:$0x3FAE];
	_ =	sdelay $0x3  }
0x37: {  	[smem:$0x3FAE] =	sst s10  }
0x38: {  	s10 =	sld [smem:$0x3FAF]  }
0x39: {  	_ = 	snop;
	(pc) =	sbr.ind lr, $3  }
0x3a: {  	_ = 	snop  }
0x3b: {  	_ = 	snop  }
0x3c: {  	p2 =	seq.s32 s10, $0x1;
	s10 =	sld [smem:$0x3FAE]  }
0x3d: {  	_ =	shalt  }
0x3e: {  	_ =	shalt  }
0x3f: {  	_ =	shalt  }
0x40: {  	_ =	shalt  }
0x41: {  	_ =	shalt  }
0x42: {  	_ =	shalt  }
0x43: {  	_ =	shalt  }
0x44: {  	_ =	shalt  }
0x45: {  	_ =	shalt  }
0x46: {  	_ =	shalt  }
0x47: {  	_ =	shalt  }
0x48: {  	_ =	shalt  }
0x49: {  	_ =	shalt  }
0x4a: {  	_ =	shalt  }
0x4b: {  	_ =	shalt  }
0x4c: {  	_ =	shalt  }
0x4d: {  	_ =	shalt  }
0x4e: {  	_ =	shalt  }
0x4f: {  	_ =	shalt  }
0x50: {  	_ =	shalt  }
0x51: {  	_ =	shalt  }
0x52: {  	_ =	shalt  }
0x53: {  	_ =	shalt  }
0x54: {  	_ =	shalt  }
0x55: {  	_ =	shalt  }
0x56: {  	_ =	shalt  }
0x57: {  	_ =	shalt  }
0x58: {  	_ =	shalt  }
0x59: {  	_ =	shalt  }
0x5a: {  	_ =	shalt  }
0x5b: {  	_ =	shalt  }
0x5c: {  	_ =	shalt  }
0x5d: {  	_ =	shalt  }
0x5e: {  	_ =	shalt  }
0x5f: {  	_ =	shalt  }
0x60: {  	_ =	shalt  }
0x61: {  	_ =	shalt  }
0x62: {  	_ =	shalt  }
0x63: {  	_ =	shalt  }
0x64: {  	_ =	shalt  }
0x65: {  	_ =	shalt  }
0x66: {  	_ =	shalt  }
0x67: {  	_ =	shalt  }
0x68: {  	_ =	shalt  }
0x69: {  	_ =	shalt  }
0x6a: {  	_ =	shalt  }
0x6b: {  	_ =	shalt  }
0x6c: {  	_ =	shalt  }
0x6d: {  	_ =	shalt  }
0x6e: {  	_ =	shalt  }
0x6f: {  	_ =	shalt  }
0x70: {  	_ =	shalt  }
0x71: {  	_ =	shalt  }
0x72: {  	_ =	shalt  }
0x73: {  	_ =	shalt  }
0x74: {  	_ =	shalt  }
0x75: {  	_ =	shalt  }
0x76: {  	_ =	shalt  }
0x77: {  	_ =	shalt  }
0x78: {  	_ =	shalt  }
0x79: {  	_ =	shalt  }
0x7a: {  	_ =	shalt  }
0x7b: {  	_ =	shalt  }
0x7c: {  	_ =	shalt  }
0x7d: {  	_ =	shalt  }
0x7e: {  	_ =	shalt  }
0x7f: {  	_ =	shalt  }
0x80: {  	_ =	shalt  }
0x81: {  	_ =	shalt  }
0x82: {  	_ =	shalt  }
0x83: {  	_ =	shalt  }
0x84: {  	_ =	shalt  }
0x85: {  	_ =	shalt  }
0x86: {  	_ =	shalt  }
0x87: {  	_ =	shalt  }
.Lfunc_end0:
.L_simem_size_0:
called_computation_lowered:
.L_overlay_start_0:
0x88: {  	s2 =	sld [smem:$0x3FD9]  }
0x89: {  	s3 =	sld [smem:$0x3FFE];
	_ =	sdelay $0x1  }
0x8a: {  	s1 =	srdreg.scid  }
0x8b: {  	s0 =	sand.u32 $0x1, s1  }
0x8c: {  	s17 =	sshll.u32 s0, $0xA;
	s2 =	sadd.s32 s3, s2  }
0x8d: {  	s2 =	sadd.s32 s2, s17  }
0x8e: {  	[smem:$0x3FBA] =	sst s2  }
0x8f: {  	_ = 	snop  }
0x90: {  	s2 =	sld [smem:$0x3FC9]  }
0x91: {  	s18 =	sld [smem:$0x3FC8]  }
0x92: {  	s4 =	sld [smem:$0x3FC7]  }
0x93: {  	s5 =	sld [smem:$0x3FC6]  }
0x94: {  	s6 =	sld [smem:$0x3FC5]  }
0x95: {  	s7 =	sld [smem:$0x3FC4]  }
0x96: {  	s8 =	sld [smem:$0x3FC3]  }
0x97: {  	s9 =	sld [smem:$0x3FC2]  }
0x98: {  	s10 =	sld [smem:$0x3FD0];
	(tm) =	ssettm $0x1  }
0x99: {  	s11 =	sld [smem:$0x3FFB];
	_ =	sdelay $0x3  }
0x9a: {  	_ =	strace s11  }
0x9b: {  	s11 =	sld [smem:$0x3FFC];
	_ =	sdelay $0x3  }
0x9c: {  	_ =	strace s11  }
0x9d: {  	s11 =	sld [smem:$0x3FFD];
	_ =	sdelay $0x3  }
0x9e: {  	_ =	strace s11  }
0x9f: {  	_ =	strace $0x8FFFFFFF  }
0xa0: {  	s19 =	sld [smem:$0x3FDB];
	_ =	sdelay $0x1  }
0xa1: {  	s12 =	simm.s32 $_scs_section_size  }
0xa2: {  	s13 =	simm.s32 $_size__tile_overlayer_lowered;
	s14 =	simm.s32 $_tile_overlayer_lowered  }
0xa3: {  	s22 =	simm.s32 $0x1BFF;
	s21 =	sshll.u32 s14, $0x1;
	s11 =	sadd.s32 s12, s19  }
0xa4: {  	s15 =	simm.s32 $0x0;
	s20 =	sshll.u32 s13, $0x1;
	s13 =	sadd.s32 s21, s11  }
0xa5: {  	[timem:s15], [sflag:s22] =	dma.local [hbm:s13], s20  }
0xa6: {  	_ =	swait.ge [sflag:s22], s20  }
0xa7: {  	s12 =	ssub.s32 $0x0, s20;
	[sflag:s22] =	ssyncset.done $0x0  }
0xa8: {  	[sflag:s22] =	ssyncadd.s32 s12;
	_ =	sdelay $0x1  }
0xa9: {  	s23 =	simm.s32 $0x1B8B  }
0xaa: {  	_ =	swait.ge [sflag:s23], $0x1  }
0xab: {  	[sflag:s23] =	ssyncset.done $0x0  }
0xac: {  	s25 =	simm.s32 $0x1B8E;
	s24 =	sld [smem:$0x3FFE];
	[sflag:s23] =	ssyncadd.s32 $0xFFFFFFFF  }
0xad: {  	s26 =	simm.s32 $execute0_lowered;
	[smem:$0x3FD2] =	sst s25  }
0xae: {  	s13 =	sshll.u32 s26, $0x1;
	_ =	strace $0x80000046;
	[dreg:$0x1] =	wrdreg $0xFFFFFFFF  }
0xaf: {  	s28 =	simm.s32 $_size_execute0_lowered;
	s11 =	sadd.s32 s11, s13;
	[dreg:$0x0] =	wrdreg $0x0  }
0xb0: {  	s13 =	sshll.u32 s28, $0x1;
	[dreg:$0x2] =	wrdreg s11  }
0xb1: {  	[dreg:$0x3] =	wrdreg s13  }
0xb2: {  	[dreg:$0x4] =	wrdreg $0xC0  }
0xb3: {  	_ =	task [dreg:s15], $0x5FFFF  }
0xb4: {  	[dreg:$0x1] =	wrdreg $0xFFFFFFFF  }
0xb5: {  	[dreg:$0x0] =	wrdreg $0x60  }
0xb6: {  	[dreg:$0x2] =	wrdreg s2  }
0xb7: {  	[dreg:$0x3] =	wrdreg s18  }
0xb8: {  	[dreg:$0x4] =	wrdreg s4  }
0xb9: {  	[dreg:$0x5] =	wrdreg s5  }
0xba: {  	[dreg:$0x6] =	wrdreg s6  }
0xbb: {  	[dreg:$0x7] =	wrdreg s7  }
0xbc: {  	[dreg:$0x8] =	wrdreg s8  }
0xbd: {  	[dreg:$0x9] =	wrdreg s9  }
0xbe: {  	[dreg:$0xa] =	wrdreg s10  }
0xbf: {  	[dreg:$0xb] =	wrdreg s24  }
0xc0: {  	[dreg:$0xc] =	wrdreg $0x9  }
0xc1: {  	_ =	task.clear_ibuf [dreg:s15], $0xDFFFF;
	_ =	strace $0x90000046  }
0xc2: {  	s29 =	simm.s32 $0x9;
	_ =	strace $0x80000048  }
0xc3: {  	_ =	swait.ge [sflag:s29], $0x1  }
0xc4: {  	[sflag:s29] =	ssyncadd.s32 $0xFFFFFFFF  }
0xc5: {  	_ =	strace $0x90000048  }
0xc6: {  	_ =	sfence  }
0xc7: {  	s30 =	sld [smem:$0x0];
	_ =	sdelay $0x2  }
0xc8: {  	s31 =	sshll.u32 s1, $0xD;
	s1 =	sshrl.u32 s1, $0x2  }
0xc9: {  	s3 =	sand.u32 $0x4000, s31;
	s1 =	sadd.s32 s1, s30  }
0xca: {  	s0 =	sor.u32 s3, s0;
	s1 =	sshll.u32 s1, $0x11  }
0xcb: {  	s0 =	sor.u32 s1, s0  }
0xcc: {  	s0 =	sadd.s32 $0x8F2B, s0  }
0xcd: {  	[sflag:s0] =	ssyncadd.remote.s32 $0x1  }
0xce: {  	_ =	sfence.sel $0xFFFF  }
0xcf: {  	[dreg:$0x0] =	wrdreg $0xFFFFFFFF;
	(pc) =	sbr.abs _section_cstart, $3  }
0xd0: {  	[dreg:$0x1] =	wrdreg $0xFFFFFFFF  }
0xd1: {  	_ =	task.clear_ibuf [dreg:s15], $0x2FFFF;
	_ =	strace $0x9FFFFFFF  }
0xd2: {  	(tm) =	ssettm $0x7FFFFFFF  }
0xd3: {  	_ =	shalt  }
tec
execute0_lowered:
.L_overlay_start_1:
0x0: {  	(tag) =	ssettag $0x1  }
0x1: {  	s0 =	rddreg [dreg:$0x0]  }
0x2: {  	s3 =	rddreg [dreg:$0x1]  }
0x3: {  	s4 =	rddreg [dreg:$0x2]  }
0x4: {  	s6 =	rddreg [dreg:$0x3]  }
0x5: {  	s7 =	rddreg [dreg:$0x4]  }
0x6: {  	s8 =	rddreg [dreg:$0x5]  }
0x7: {  	s1 =	rddreg [dreg:$0x6]  }
0x8: {  	s2 =	rddreg [dreg:$0x7]  }
0x9: {  	s9 =	rddreg [dreg:$0x9]  }
0xa: {  	s10 =	srdreg.scid;
	s11 =	stileid.u32;
	s5 =	simm.s32 $0x0  }
0xb: {  	s28 =	simm.s32 $0x4C00;
	s30 =	simm.s32 $0x10C00;
	s29 =	simm.s32 $0x18C00  }
0xc: {  	s31 =	simm.s32 $0x2;
	s10 =	sand.u32 $0x1, s10;
	s11 =	sshll.u32 s11, $0x1  }
0xd: {  	[smem:$0x7FF] =	sst s5;
	s12 =	sadd.s32 $0x1200, s9;
	s16 =	sadd.s32 $0x41200, s9  }
0xe: {  	s11 =	sor.u32 s10, s11;
	_ =	strace $0x80000047;
	s14 =	ssub.s32 $0x2, s10  }
0xf: {  	s10 =	sshll.u32 s10, $0x9;
	s13 =	sshll.u32 s11, $0x9;
	s17 =	sshrl.u32 s14, $0x1  }
0x10: {  	s19 =	sshll.u32 s11, $0xD;
	s15 =	sand.u32 $0x3C00, s13;
	s9 =	sadd.s32 s13, s9  }
0x11: {  	s13 =	ssub.s32 s14, s17;
	s20 =	sadd.s32 s12, s19;
	s21 =	sadd.s32 s16, s19  }
0x12: {  	s22 =	sor.u32 $0x800, s19;
	s24 =	sor.u32 $0x1000, s19;
	[dreg:$0x12] =	wrdreg s20  }
0x13: {  	s10 =	sor.u32 s10, s15;
	s18 =	sadd.s32 $0x81200, s9;
	[dreg:$0x13] =	wrdreg s21  }
0x14: {  	s23 =	sadd.s32 s12, s22;
	s25 =	sadd.s32 s12, s24;
	[dreg:$0x11] =	wrdreg s18  }
0x15: {  	s21 =	smax.u32 s13, $0x1;
	s9 =	simm.s32 $0x6;
	[dreg:$0x14] =	wrdreg s23  }
0x16: {  	s10 =	sshrl.u32 s10, $0x3;
	[dreg:$0x16] =	wrdreg s25;
	s23 =	simm.s32 $0x1  }
0x17: {  	s25 =	simm.s32 $0xC00;
	s0 =	sadd.s32 s0, s10;
	s3 =	sadd.s32 s3, s10  }
0x18: {  	s10 =	sshll.u32 s11, $0x6;
	s11 =	simm.s32 $0x3;
	[dreg:$0xb] =	wrdreg s0  }
0x19: {  	[dreg:$0xc] =	wrdreg s3;
	s14 =	sadd.s32 s4, s10;
	s15 =	sadd.s32 s6, s10  }
0x1a: {  	s17 =	sadd.s32 s7, s10;
	s0 =	sadd.s32 s8, s10;
	[dreg:$0xd] =	wrdreg s14  }
0x1b: {  	s3 =	sadd.s32 s16, s22;
	s4 =	simm.s32 $0x14C00;
	[dreg:$0xe] =	wrdreg s15  }
0x1c: {  	s6 =	simm.s32 $0x7;
	s7 =	simm.s32 $0x5;
	[dreg:$0xf] =	wrdreg s17  }
0x1d: {  	s8 =	simm.s32 $0x8;
	s10 =	simm.s32 $0x9;
	[dreg:$0x10] =	wrdreg s0  }
0x1e: {  	[dreg:$0x15] =	wrdreg s3;
	s3 =	sadd.s32 s16, s24;
	s0 =	sor.u32 $0x1800, s19  }
0x1f: {  	s24 =	simm.s32 $0x80;
	[dreg:$0x17] =	wrdreg s3;
	s26 =	sadd.s32 s12, s0  }
0x20: {  	s20 =	sadd.s32 s16, s0;
	s0 =	simm.s32 $0x8C00;
	s3 =	simm.s32 $0x4  }
0x21: {  	s12 =	simm.s32 $0x0;
	[dreg:$0x18] =	wrdreg s26;
	s26 =	simm.s32 $0xCC00  }
.LBB2_1:
0x22: {  	s13 =	rddreg [dreg:$0xb]  }
0x23: {  	[tilespmem:s5], [sflag:$0x1] =	stream.linear.gather [hbm4b:s13+s5], $0x200, $0x38;
	[tilespmem:$0x1D080] =	vst v63  }
0x24: {  	s15 =	rddreg [dreg:$0xc];
	s14 =	simm.s32 $0x200  }
0x25: {  	[tilespmem:s14], [sflag:$0x1] =	stream.linear.gather [hbm4b:s15+s5], $0x200, $0x38;
	[tilespmem:$0x1D080] =	vst v63  }
0x26: {  	_ =	swait.ge [sflag:s23], $0x200  }
0x27: {  	[sflag:s23] =	ssyncset.done $0x0  }
0x28: {  	[sflag:s23] =	ssyncadd.s32 $0xFFFFFE00  }
0x29: {  	_ =	swait.ge [sflag:s23], $0x200  }
0x2a: {  	[sflag:s23] =	ssyncset.done $0x0  }
0x2b: {  	[sflag:s23] =	ssyncadd.s32 $0xFFFFFE00  }
0x2c: {  	[tilespmem:s25], [sflag:$0x4] =	stream.indirect.gather [hbm4b:s1+s24], $0x80, s5, s24, $0xb8;
	[tilespmem:$0x1D080] =	vst v63  }
0x2d: {  	_ = 	snop  }
0x2e: {  	[tilespmem:s26], [sflag:$0x7] =	stream.indirect.gather [hbm4b:s2+s24], $0x80, s14, s24, $0xb8;
	[tilespmem:$0x1D080] =	vst v63  }
0x2f: {  	_ = 	snop  }
0x30: {  	[tilespmem:s28], [sflag:$0x5] =	stream.indirect.gather [hbm4b:s1+s24], $0x80, s24, s24, $0xb8;
	[tilespmem:$0x1D080] =	vst v63  }
0x31: {  	s16 =	simm.s32 $0x280  }
0x32: {  	[tilespmem:s30], [sflag:$0x8] =	stream.indirect.gather [hbm4b:s2+s24], $0x80, s16, s24, $0xb8;
	[tilespmem:$0x1D080] =	vst v63  }
0x33: {  	s17 =	simm.s32 $0x100  }
0x34: {  	[tilespmem:s0], [sflag:$0x6] =	stream.indirect.gather [hbm4b:s1+s24], $0x80, s17, s24, $0xb8;
	[tilespmem:$0x1D080] =	vst v63  }
0x35: {  	s18 =	simm.s32 $0x300  }
0x36: {  	[tilespmem:s4], [sflag:$0x9] =	stream.indirect.gather [hbm4b:s2+s24], $0x80, s18, s24, $0xb8;
	[tilespmem:$0x1D080] =	vst v63  }
0x37: {  	s13 =	simm.s32 $0x400;
	s19 =	rddreg [dreg:$0xd]  }
0x38: {  	[tilespmem:s13], [sflag:$0x2] =	stream.linear.gather [hbm4b:s19+s5], $0x200, $0x38;
	[tilespmem:$0x1D080] =	vst v63  }
0x39: {  	s15 =	rddreg [dreg:$0xe];
	s14 =	simm.s32 $0x600  }
0x3a: {  	[tilespmem:s14], [sflag:$0x2] =	stream.linear.gather [hbm4b:s15+s5], $0x200, $0x38;
	[tilespmem:$0x1D080] =	vst v63  }
0x3b: {  	s16 =	rddreg [dreg:$0xf];
	s15 =	simm.s32 $0x800  }
0x3c: {  	[tilespmem:s15], [sflag:$0x2] =	stream.linear.gather [hbm4b:s16+s5], $0x200, $0x38;
	[tilespmem:$0x1D080] =	vst v63  }
0x3d: {  	s17 =	rddreg [dreg:$0x10];
	s16 =	simm.s32 $0xA00  }
0x3e: {  	[tilespmem:s16], [sflag:$0x2] =	stream.linear.gather [hbm4b:s17+s5], $0x200, $0x38;
	[tilespmem:$0x1D080] =	vst v63  }
0x3f: {  	s22 =	rddreg [dreg:$0x8]  }
0x40: {  	[tilespmem:s29], [sflag:$0x2] =	stream.linear.gather [hbm4b:s22+s5], $0x480, $0x38;
	[tilespmem:$0x1D080] =	vst v63  }
0x41: {  	_ =	swait.ge [sflag:s31], $0x200  }
0x42: {  	[sflag:s31] =	ssyncset.done $0x0  }
0x43: {  	[sflag:s31] =	ssyncadd.s32 $0xFFFFFE00  }
0x44: {  	_ =	swait.ge [sflag:s31], $0x200  }
0x45: {  	[sflag:s31] =	ssyncset.done $0x0  }
0x46: {  	[sflag:s31] =	ssyncadd.s32 $0xFFFFFE00  }
0x47: {  	_ =	swait.ge [sflag:s31], $0x200  }
0x48: {  	[sflag:s31] =	ssyncset.done $0x0  }
0x49: {  	[sflag:s31] =	ssyncadd.s32 $0xFFFFFE00  }
0x4a: {  	_ =	swait.ge [sflag:s31], $0x200  }
0x4b: {  	[sflag:s31] =	ssyncset.done $0x0  }
0x4c: {  	[sflag:s31] =	ssyncadd.s32 $0xFFFFFE00  }
0x4d: {  	_ =	swait.ge [sflag:s31], $0x480  }
0x4e: {  	[sflag:s31] =	ssyncset.done $0x0  }
0x4f: {  	s18 =	simm.s32 $0x0;
	s17 =	simm.s32 $0x0;
	[sflag:s31] =	ssyncadd.s32 $0xFFFFFB80  }
.LBB2_2:
0x50: {  	v0 =	vld [tilespmem:s13+$0x0];
	_ =	sdelay $0x4  }
0x51: {  	v0 =	vshll.u32 v0, $0x3;
	_ =	sdelay $0x4  }
0x52: {  	v1 =	vld.idx.msk [tilespmem:v0+s29+$0x0], $0xffff  }
0x53: {  	v2 =	vor.u32 $0x1, v0;
	_ =	sdelay $0x1  }
0x54: {  	s22 =	sand.u32 $0x70, s18;
	s19 =	sand.u32 $0xC00, s17  }
0x55: {  	s22 =	sor.u32 s22, s19  }
0x56: {  	[tilespmem:s22+$0x19080] =	vst v1  }
0x57: {  	v1 =	vld.idx.msk [tilespmem:v2+s29+$0x0], $0xffff  }
0x58: {  	v38 =	vor.u32 $0x2, v0;
	_ =	sdelay $0x3  }
0x59: {  	[tilespmem:s22+$0x19100] =	vst v1  }
0x5a: {  	v1 =	vld.idx.msk [tilespmem:v38+s29+$0x0], $0xffff  }
0x5b: {  	v39 =	vor.u32 $0x3, v0;
	_ =	sdelay $0x3  }
0x5c: {  	[tilespmem:s22+$0x19180] =	vst v1  }
0x5d: {  	v1 =	vld.idx.msk [tilespmem:v39+s29+$0x0], $0xffff  }
0x5e: {  	v40 =	vor.u32 $0x4, v0;
	_ =	sdelay $0x3  }
0x5f: {  	[tilespmem:s22+$0x19200] =	vst v1  }
0x60: {  	v1 =	vld.idx.msk [tilespmem:v40+s29+$0x0], $0xffff  }
0x61: {  	v41 =	vor.u32 $0x5, v0;
	_ =	sdelay $0x3  }
0x62: {  	[tilespmem:s22+$0x19280] =	vst v1  }
0x63: {  	v1 =	vld.idx.msk [tilespmem:v41+s29+$0x0], $0xffff  }
0x64: {  	v42 =	vor.u32 $0x6, v0;
	_ =	sdelay $0x3  }
0x65: {  	[tilespmem:s22+$0x19300] =	vst v1  }
0x66: {  	v1 =	vld.idx.msk [tilespmem:v42+s29+$0x0], $0xffff  }
0x67: {  	v0 =	vor.u32 $0x7, v0;
	_ =	sdelay $0x3  }
0x68: {  	[tilespmem:s22+$0x19380] =	vst v1  }
0x69: {  	v0 =	vld.idx.msk [tilespmem:v0+s29+$0x0], $0xffff;
	_ =	sdelay $0x2  }
0x6a: {  	s19 =	sor.u32 s17, s18  }
0x6b: {  	s19 =	sor.u32 $0x380, s19  }
0x6c: {  	[tilespmem:s19+$0x19080] =	vst v0  }
0x6d: {  	v0 =	vld [tilespmem:s14+$0x0];
	_ =	sdelay $0x4  }
0x6e: {  	v0 =	vshll.u32 v0, $0x3  }
0x6f: {  	v43 =	vadd.s32 $0x10, v0;
	_ =	sdelay $0x4  }
0x70: {  	v1 =	vld.idx.msk [tilespmem:v43+s29+$0x0], $0xffff  }
0x71: {  	v44 =	vadd.s32 $0x11, v0;
	_ =	sdelay $0x3  }
0x72: {  	[tilespmem:s22+$0x1A080] =	vst v1  }
0x73: {  	v1 =	vld.idx.msk [tilespmem:v44+s29+$0x0], $0xffff  }
0x74: {  	v45 =	vadd.s32 $0x12, v0;
	_ =	sdelay $0x3  }
0x75: {  	[tilespmem:s22+$0x1A100] =	vst v1  }
0x76: {  	v1 =	vld.idx.msk [tilespmem:v45+s29+$0x0], $0xffff  }
0x77: {  	v46 =	vadd.s32 $0x13, v0;
	_ =	sdelay $0x3  }
0x78: {  	[tilespmem:s22+$0x1A180] =	vst v1  }
0x79: {  	v1 =	vld.idx.msk [tilespmem:v46+s29+$0x0], $0xffff  }
0x7a: {  	v47 =	vadd.s32 $0x14, v0;
	_ =	sdelay $0x3  }
0x7b: {  	[tilespmem:s22+$0x1A200] =	vst v1  }
0x7c: {  	v1 =	vld.idx.msk [tilespmem:v47+s29+$0x0], $0xffff  }
0x7d: {  	v48 =	vadd.s32 $0x15, v0;
	_ =	sdelay $0x3  }
0x7e: {  	[tilespmem:s22+$0x1A280] =	vst v1  }
0x7f: {  	v1 =	vld.idx.msk [tilespmem:v48+s29+$0x0], $0xffff  }
0x80: {  	v49 =	vadd.s32 $0x16, v0;
	_ =	sdelay $0x3  }
0x81: {  	[tilespmem:s22+$0x1A300] =	vst v1  }
0x82: {  	v1 =	vld.idx.msk [tilespmem:v49+s29+$0x0], $0xffff  }
0x83: {  	v0 =	vadd.s32 $0x17, v0;
	_ =	sdelay $0x3  }
0x84: {  	[tilespmem:s22+$0x1A380] =	vst v1  }
0x85: {  	v0 =	vld.idx.msk [tilespmem:v0+s29+$0x0], $0xffff;
	_ =	sdelay $0x4  }
0x86: {  	[tilespmem:s22+$0x1A400] =	vst v0  }
0x87: {  	v0 =	vld [tilespmem:s15+$0x0];
	_ =	sdelay $0x4  }
0x88: {  	v0 =	vshll.u32 v0, $0x3  }
0x89: {  	v50 =	vadd.s32 $0x48, v0;
	_ =	sdelay $0x4  }
0x8a: {  	v1 =	vld.idx.msk [tilespmem:v50+s29+$0x0], $0xffff  }
0x8b: {  	v51 =	vadd.s32 $0x49, v0;
	_ =	sdelay $0x3  }
0x8c: {  	[tilespmem:s22+$0x1B080] =	vst v1  }
0x8d: {  	v1 =	vld.idx.msk [tilespmem:v51+s29+$0x0], $0xffff  }
0x8e: {  	v52 =	vadd.s32 $0x4A, v0;
	_ =	sdelay $0x3  }
0x8f: {  	[tilespmem:s22+$0x1B100] =	vst v1  }
0x90: {  	v1 =	vld.idx.msk [tilespmem:v52+s29+$0x0], $0xffff  }
0x91: {  	v53 =	vadd.s32 $0x4B, v0;
	_ =	sdelay $0x3  }
0x92: {  	[tilespmem:s22+$0x1B180] =	vst v1  }
0x93: {  	v1 =	vld.idx.msk [tilespmem:v53+s29+$0x0], $0xffff  }
0x94: {  	v54 =	vadd.s32 $0x4C, v0;
	_ =	sdelay $0x3  }
0x95: {  	[tilespmem:s22+$0x1B200] =	vst v1  }
0x96: {  	v1 =	vld.idx.msk [tilespmem:v54+s29+$0x0], $0xffff  }
0x97: {  	v55 =	vadd.s32 $0x4D, v0;
	_ =	sdelay $0x3  }
0x98: {  	[tilespmem:s22+$0x1B280] =	vst v1  }
0x99: {  	v1 =	vld.idx.msk [tilespmem:v55+s29+$0x0], $0xffff  }
0x9a: {  	v56 =	vadd.s32 $0x4E, v0;
	_ =	sdelay $0x3  }
0x9b: {  	[tilespmem:s22+$0x1B300] =	vst v1  }
0x9c: {  	v1 =	vld.idx.msk [tilespmem:v56+s29+$0x0], $0xffff  }
0x9d: {  	v0 =	vadd.s32 $0x4F, v0;
	_ =	sdelay $0x3  }
0x9e: {  	[tilespmem:s22+$0x1B380] =	vst v1  }
0x9f: {  	v0 =	vld.idx.msk [tilespmem:v0+s29+$0x0], $0xffff;
	_ =	sdelay $0x4  }
0xa0: {  	[tilespmem:s22+$0x1B400] =	vst v0  }
0xa1: {  	v0 =	vld [tilespmem:s16+$0x0];
	_ =	sdelay $0x4  }
0xa2: {  	v0 =	vshll.u32 v0, $0x3  }
0xa3: {  	v57 =	vadd.s32 $0xF0, v0;
	_ =	sdelay $0x4  }
0xa4: {  	v1 =	vld.idx.msk [tilespmem:v57+s29+$0x0], $0xffff  }
0xa5: {  	v58 =	vadd.s32 $0xF1, v0;
	_ =	sdelay $0x3  }
0xa6: {  	[tilespmem:s22+$0x1C080] =	vst v1  }
0xa7: {  	v1 =	vld.idx.msk [tilespmem:v58+s29+$0x0], $0xffff  }
0xa8: {  	v59 =	vadd.s32 $0xF2, v0;
	_ =	sdelay $0x3  }
0xa9: {  	[tilespmem:s22+$0x1C100] =	vst v1  }
0xaa: {  	v1 =	vld.idx.msk [tilespmem:v59+s29+$0x0], $0xffff  }
0xab: {  	v60 =	vadd.s32 $0xF3, v0;
	_ =	sdelay $0x3  }
0xac: {  	[tilespmem:s22+$0x1C180] =	vst v1  }
0xad: {  	v1 =	vld.idx.msk [tilespmem:v60+s29+$0x0], $0xffff  }
0xae: {  	v61 =	vadd.s32 $0xF4, v0;
	_ =	sdelay $0x3  }
0xaf: {  	[tilespmem:s22+$0x1C200] =	vst v1  }
0xb0: {  	v1 =	vld.idx.msk [tilespmem:v61+s29+$0x0], $0xffff  }
0xb1: {  	v62 =	vadd.s32 $0xF5, v0;
	_ =	sdelay $0x3  }
0xb2: {  	[tilespmem:s22+$0x1C280] =	vst v1  }
0xb3: {  	v1 =	vld.idx.msk [tilespmem:v62+s29+$0x0], $0xffff  }
0xb4: {  	v63 =	vadd.s32 $0xF6, v0;
	_ =	sdelay $0x3  }
0xb5: {  	[tilespmem:s22+$0x1C300] =	vst v1  }
0xb6: {  	v1 =	vld.idx.msk [tilespmem:v63+s29+$0x0], $0xffff  }
0xb7: {  	v0 =	vadd.s32 $0xF7, v0;
	_ =	sdelay $0x3  }
0xb8: {  	[tilespmem:s22+$0x1C380] =	vst v1  }
0xb9: {  	p0 =	sne.s32 s18, $0x1F0;
	v0 =	vld.idx.msk [tilespmem:v0+s29+$0x0], $0xffff  }
.Ltmp0:
0xba: {  	_ = 	snop;
	(pc) =	sbr.rel @p0 .LBB2_2-.Ltmp0, $3  }
0xbb: {  	_ =	sdelay $0x1  }
0xbc: {  	s13 =	sadd.s32 $0x10, s13;
	s17 =	sadd.s32 $0x80, s17;
	s18 =	sadd.s32 $0x10, s18  }
0xbd: {  	s14 =	sadd.s32 $0x10, s14;
	s15 =	sadd.s32 $0x10, s15;
	s16 =	sadd.s32 $0x10, s16;
	[tilespmem:s22+$0x1C400] =	vst v0  }
0xbe: {  	s13 =	rddreg [dreg:$0x11]  }
0xbf: {  	s14 =	simm.s32 $0x1000;
	s15 =	simm.s32 $0x20000;
	s16 =	simm.s32 $0x19080  }
0xc0: {  	[hbm4b:s13+s14] =	stream.strided.scatter [tilespmem:s16], [sflag:$0x3], $0x4000, s15, s14, $0x38;
	[tilespmem:$0x1D080] =	vst v63  }
0xc1: {  	_ =	swait.ge [sflag:s3], $0x4000  }
0xc2: {  	[sflag:s3] =	ssyncset.done $0x0  }
0xc3: {  	[sflag:s3] =	ssyncadd.s32 $0xFFFFC000  }
0xc4: {  	_ =	swait.ge [sflag:s6], $0x4000  }
0xc5: {  	[sflag:s6] =	ssyncset.done $0x0  }
0xc6: {  	s19 =	rddreg [dreg:$0x12];
	[sflag:s6] =	ssyncadd.s32 $0xFFFFC000  }
0xc7: {  	[hbm4b:s19+s5] =	stream.linear.scatter [tilespmem:s25], [sflag:$0x4], $0x4000, $0x38;
	[tilespmem:$0x1D080] =	vst v63  }
0xc8: {  	s22 =	rddreg [dreg:$0x13]  }
0xc9: {  	[hbm4b:s22+s5] =	stream.linear.scatter [tilespmem:s26], [sflag:$0x7], $0x4000, $0x38;
	[tilespmem:$0x1D080] =	vst v63  }
0xca: {  	_ =	swait.ge [sflag:s3], $0x4000  }
0xcb: {  	[sflag:s3] =	ssyncset.done $0x0  }
0xcc: {  	[sflag:s3] =	ssyncadd.s32 $0xFFFFC000  }
0xcd: {  	_ =	swait.ge [sflag:s6], $0x4000  }
0xce: {  	[sflag:s6] =	ssyncset.done $0x0  }
0xcf: {  	s14 =	simm.s32 $0x180;
	[sflag:s6] =	ssyncadd.s32 $0xFFFFC000  }
0xd0: {  	[tilespmem:s25], [sflag:$0x4] =	stream.indirect.gather [hbm4b:s1+s24], $0x80, s14, s24, $0xb8;
	[tilespmem:$0x1D080] =	vst v63  }
0xd1: {  	s15 =	simm.s32 $0x380  }
0xd2: {  	[tilespmem:s26], [sflag:$0x7] =	stream.indirect.gather [hbm4b:s2+s24], $0x80, s15, s24, $0xb8;
	[tilespmem:$0x1D080] =	vst v63  }
0xd3: {  	_ =	swait.ge [sflag:s7], $0x4000  }
0xd4: {  	[sflag:s7] =	ssyncset.done $0x0  }
0xd5: {  	[sflag:s7] =	ssyncadd.s32 $0xFFFFC000  }
0xd6: {  	_ =	swait.ge [sflag:s8], $0x4000  }
0xd7: {  	[sflag:s8] =	ssyncset.done $0x0  }
0xd8: {  	s16 =	rddreg [dreg:$0x14];
	[sflag:s8] =	ssyncadd.s32 $0xFFFFC000  }
0xd9: {  	[hbm4b:s16+s5] =	stream.linear.scatter [tilespmem:s28], [sflag:$0x5], $0x4000, $0x38;
	[tilespmem:$0x1D080] =	vst v63  }
0xda: {  	s17 =	rddreg [dreg:$0x15]  }
0xdb: {  	[hbm4b:s17+s5] =	stream.linear.scatter [tilespmem:s30], [sflag:$0x8], $0x4000, $0x38;
	[tilespmem:$0x1D080] =	vst v63  }
0xdc: {  	_ =	swait.ge [sflag:s9], $0x4000  }
0xdd: {  	[sflag:s9] =	ssyncset.done $0x0  }
0xde: {  	[sflag:s9] =	ssyncadd.s32 $0xFFFFC000  }
0xdf: {  	_ =	swait.ge [sflag:s10], $0x4000  }
0xe0: {  	[sflag:s10] =	ssyncset.done $0x0  }
0xe1: {  	s18 =	rddreg [dreg:$0x16];
	[sflag:s10] =	ssyncadd.s32 $0xFFFFC000  }
0xe2: {  	[hbm4b:s18+s5] =	stream.linear.scatter [tilespmem:s0], [sflag:$0x6], $0x4000, $0x38;
	[tilespmem:$0x1D080] =	vst v63  }
0xe3: {  	s19 =	rddreg [dreg:$0x17]  }
0xe4: {  	[hbm4b:s19+s5] =	stream.linear.scatter [tilespmem:s4], [sflag:$0x9], $0x4000, $0x38;
	[tilespmem:$0x1D080] =	vst v63  }
0xe5: {  	_ =	swait.ge [sflag:s3], $0x4000  }
0xe6: {  	[sflag:s3] =	ssyncset.done $0x0  }
0xe7: {  	[sflag:s3] =	ssyncadd.s32 $0xFFFFC000  }
0xe8: {  	_ =	swait.ge [sflag:s6], $0x4000  }
0xe9: {  	[sflag:s6] =	ssyncset.done $0x0  }
0xea: {  	s22 =	rddreg [dreg:$0x18];
	[sflag:s6] =	ssyncadd.s32 $0xFFFFC000  }
0xeb: {  	[hbm4b:s22+s5] =	stream.linear.scatter [tilespmem:s25], [sflag:$0x4], $0x4000, $0x38;
	[tilespmem:$0x1D080] =	vst v63  }
0xec: {  	_ = 	snop  }
0xed: {  	[hbm4b:s20+s5] =	stream.linear.scatter [tilespmem:s26], [sflag:$0x7], $0x4000, $0x38;
	[tilespmem:$0x1D080] =	vst v63  }
0xee: {  	_ =	swait.ge [sflag:s7], $0x4000  }
0xef: {  	[sflag:s7] =	ssyncset.done $0x0  }
0xf0: {  	[sflag:s7] =	ssyncadd.s32 $0xFFFFC000  }
0xf1: {  	_ =	swait.ge [sflag:s8], $0x4000  }
0xf2: {  	[sflag:s8] =	ssyncset.done $0x0  }
0xf3: {  	[sflag:s8] =	ssyncadd.s32 $0xFFFFC000  }
0xf4: {  	_ =	swait.ge [sflag:s9], $0x4000  }
0xf5: {  	[sflag:s9] =	ssyncset.done $0x0  }
0xf6: {  	[sflag:s9] =	ssyncadd.s32 $0xFFFFC000  }
0xf7: {  	_ =	swait.ge [sflag:s10], $0x4000  }
0xf8: {  	[sflag:s10] =	ssyncset.done $0x0  }
0xf9: {  	[sflag:s10] =	ssyncadd.s32 $0xFFFFC000  }
0xfa: {  	_ =	swait.ge [sflag:s3], $0x4000  }
0xfb: {  	[sflag:s3] =	ssyncset.done $0x0  }
0xfc: {  	s12 =	sadd.s32 $0x1, s12;
	[sflag:s3] =	ssyncadd.s32 $0xFFFFC000  }
0xfd: {  	p0 =	sne.s32 s12, s21;
	_ =	swait.ge [sflag:s6], $0x4000  }
.Ltmp1:
0xfe: {  	[sflag:s6] =	ssyncset.done $0x0;
	(pc) =	sbr.rel @p0 .LBB2_1-.Ltmp1, $4  }
0xff: {  	[sflag:s6] =	ssyncadd.s32 $0xFFFFC000  }
0x100: {  	_ =	swait.ge [sflag:s11], $0x4000  }
0x101: {  	[sflag:s11] =	ssyncset.done $0x0  }
0x102: {  	[sflag:s11] =	ssyncadd.s32 $0xFFFFC000  }
0x103: {  	_ =	sfence.sel $0x180000  }
0x104: {  	[bflag:$0x0] =	sbarrier.arrive $0xFFFF  }
0x105: {  	_ =	strace $0x90000047  }
0x106: {  	s0 =	stileid.u32;
	[bflag:$0x2] =	sbarrier.arrive $0xFFFF  }
0x107: {  	p0 =	sne.s32 s0, $0x0;
	s0 =	rddreg [dreg:$0xa]  }
0x108: {  	s0 =	sadd.s32 @!p0 $0x100000, s0  }
0x109: {  	[sflag:s0] =	ssyncadd.tile.s32 @!p0 $0x1;
	_ =	shalt  }
.Lfunc_end2:
_tile_overlayer_lowered:
.L_overlay_start_2:
0x10a: {  	(tag) =	ssettag $0x2  }
0x10b: {  	s0 =	rddreg [dreg:$0x0];
	s2 =	stileid.u32  }
0x10c: {  	s1 =	rddreg [dreg:$0x1];
	p0 =	sne.s32 s2, $0x0  }
0x10d: {  	s3 =	rddreg [dreg:$0x2];
	[bflag:$0x3] =	sbarrier.arrive $0xFFFF;
	s2 =	simm.s32 @!p0 $0x1C0A  }
0x10e: {  	[timem:s3], [sflag:s2] =	dma.local @!p0 [hbm:s0], s1  }
0x10f: {  	s0 =	simm.s32 @!p0 $0xA  }
0x110: {  	_ =	swait.ge @!p0 [sflag:s0], s1  }
0x111: {  	s1 =	ssub.s32 @!p0 $0x0, s1;
	[sflag:s0] =	ssyncset.done @!p0 $0x0  }
0x112: {  	[sflag:s0] =	ssyncadd.s32 @!p0 s1  }
0x113: {  	[bflag:$0x3] =	sbarrier.arrive $0xFFFF  }
0x114: {  	_ =	shalt  }

</sc_bundles>
